<compile_context>
chip_gen: v7x
topology: tpu7x:2x2x1
jax: 0.10.2.dev20260603
libtpu: 0.0.44.dev20260713+nightly
codegen_flags: <defaults>
</compile_context>

<pallas_src>
import functools
import jax
import jax.numpy as jnp
from jax import lax
from jax.experimental import pallas as pl
from jax.experimental.pallas import tpu as pltpu
from jax.experimental.pallas import tpu_sc as plsc

N = 10000
E = 320000
D_IN = 128
D_HID = 128
N_CLS = 40
D2P = 48

NC = 2
NS = 16
NW = NC * NS
E_PER_W = E // NW
CH = 80
KD = 5
GSZD = KD * CH
NGD = E_PER_W // GSZD
N_PAD = 10240
ROWS_PER_TILE = N_PAD // NS


def _sc_mesh():
    return plsc.VectorSubcoreMesh(core_axis_name="c", subcore_axis_name="s")


_SC_PARAMS = pltpu.CompilerParams(use_tc_tiling_on_sc=False)



def _make_agg(D):
    NCH = E_PER_W // CH

    def body_fn(y_hbm, src_hbm, dst_hbm, zeros_hbm, out_hbm,
                srcb, dstb, rows0, rows1,
                acc_sh, gsem0, gsem1, ssem0, ssem1):
        c = lax.axis_index("c")
        s = lax.axis_index("s")
        wid = c * NS + s
        base = wid * E_PER_W
        rbase = s * ROWS_PER_TILE

        rows = (rows0, rows1)
        gsem = (gsem0, gsem1)
        ssem = (ssem0, ssem1)

        def fire_g(t, b):
            pltpu.async_copy(y_hbm.at[srcb.at[pl.ds(t * CH, CH)]],
                             rows[b], gsem[b])

        def wait_g(b):
            pltpu.make_async_copy(y_hbm.at[srcb.at[pl.ds(0, CH)]],
                                  rows[b], gsem[b]).wait()

        def wait_s(b):
            pltpu.make_async_copy(rows[b], acc_sh.at[dstb.at[0]],
                                  ssem[b]).wait()

        def chunk(t, b, drain=True, pre=True):
            wait_g(b)
            pltpu.async_copy(rows[b], acc_sh.at[dstb.at[t]], ssem[b],
                             add=True)
            if drain:
                wait_s(1 - b)
            if pre:
                fire_g(t + 1, 1 - b)

        pltpu.sync_copy(src_hbm.at[pl.ds(base, E_PER_W)], srcb)
        pltpu.sync_copy(dst_hbm.at[wid], dstb)
        fire_g(0, 0)
        pltpu.sync_copy(zeros_hbm.at[pl.ds(rbase, ROWS_PER_TILE)],
                        acc_sh.at[pl.ds(rbase, ROWS_PER_TILE)])
        plsc.subcore_barrier()

        chunk(0, 0, drain=False)
        chunk(1, 1)

        def pair(i, carry):
            chunk(2 * i + 2, 0)
            chunk(2 * i + 3, 1)
            return carry

        lax.fori_loop(0, (NCH - 3) // 2, pair, 0)
        chunk(NCH - 1, 0, pre=False)

        wait_s(0)
        plsc.subcore_barrier()
        pltpu.sync_copy(acc_sh.at[pl.ds(rbase, ROWS_PER_TILE)],
                        out_hbm.at[c, pl.ds(rbase, ROWS_PER_TILE)])

    return pl.kernel(
        body_fn,
        mesh=_sc_mesh(),
        compiler_params=_SC_PARAMS,
        out_type=jax.ShapeDtypeStruct((NC, N_PAD, D), jnp.float32),
        scratch_types=(
            [pltpu.VMEM((E_PER_W,), jnp.int32)]
            + [pltpu.VMEM((NCH, CH), jnp.int32)]
            + [pltpu.VMEM((CH, D), jnp.float32)] * 2
            + [pltpu.VMEM_SHARED((N_PAD, D), jnp.float32)]
            + [pltpu.SemaphoreType.DMA] * 4
        ),
    )


_agg128 = _make_agg(D_HID)
_agg48 = _make_agg(D2P)



@functools.partial(
    pl.kernel,
    mesh=_sc_mesh(),
    compiler_params=_SC_PARAMS,
    out_type=jax.ShapeDtypeStruct((NC, N_PAD, 16), jnp.float32),
    scratch_types=(
        [pltpu.VMEM((CH, 16), jnp.float32)]
        + [pltpu.VMEM((E_PER_W // CH, CH), jnp.int32)]
        + [pltpu.VMEM_SHARED((N_PAD, 16), jnp.float32)]
        + [pltpu.SemaphoreType.DMA] * 2
    ),
)
def _deg_pass(dst_hbm, ones_hbm, zeros_hbm, out_hbm,
              ones_v, dstb, acc_sh, ssem0, ssem1):
    c = lax.axis_index("c")
    s = lax.axis_index("s")
    wid = c * NS + s
    rbase = s * ROWS_PER_TILE

    ssem = (ssem0, ssem1)

    def fire_s(g, b):
        for k in range(KD):
            pltpu.async_copy(ones_v, acc_sh.at[dstb.at[g * KD + k]],
                             ssem[b], add=True)

    def wait_s(b):
        for k in range(KD):
            pltpu.make_async_copy(ones_v, acc_sh.at[dstb.at[0]],
                                  ssem[b]).wait()

    pltpu.sync_copy(ones_hbm, ones_v)
    pltpu.sync_copy(dst_hbm.at[wid], dstb)
    pltpu.sync_copy(zeros_hbm.at[pl.ds(rbase, ROWS_PER_TILE)],
                    acc_sh.at[pl.ds(rbase, ROWS_PER_TILE)])
    plsc.subcore_barrier()

    fire_s(0, 0)
    fire_s(1, 1)
    wait_s(0)

    def pair(t, carry):
        fire_s(2 * t + 2, 0)
        wait_s(1)
        fire_s(2 * t + 3, 1)
        wait_s(0)
        return carry

    lax.fori_loop(0, (NGD - 3) // 2, pair, 0)

    fire_s(NGD - 1, 0)
    wait_s(1)
    wait_s(0)
    plsc.subcore_barrier()
    pltpu.sync_copy(acc_sh.at[pl.ds(rbase, ROWS_PER_TILE)],
                    out_hbm.at[c, pl.ds(rbase, ROWS_PER_TILE)])



_BLK = 1000


def _y1_body(parts_ref, x_ref, w1_ref, dinv_ref, y1_ref):
    deg = parts_ref[0][:, :1] + parts_ref[1][:, :1] + 1.0
    dinv = lax.rsqrt(jnp.clip(deg, 1.0, None))
    dinv_ref[...] = jnp.broadcast_to(dinv, (_BLK, 16))
    y1_ref[...] = jnp.dot(x_ref[...], w1_ref[...],
                          preferred_element_type=jnp.float32) * dinv


def _layer2_body(p_ref, y1_ref, dinv_ref, b1_ref, w2_ref, y2_ref):
    dinv = dinv_ref[:, :1]
    z = p_ref[0] + p_ref[1] + y1_ref[...]
    h = jnp.maximum(z * dinv + b1_ref[...], 0.0)
    y2_ref[...] = jnp.dot(h, w2_ref[...],
                          preferred_element_type=jnp.float32) * dinv


def _epilogue_body(p_ref, y2_ref, dinv_ref, b2_ref, o_ref):
    dinv = dinv_ref[:, :1]
    z = p_ref[0] + p_ref[1] + y2_ref[...]
    o_ref[...] = z * dinv + b2_ref[...]


def kernel(x, edge_index, W1, b1, W2, b2):
    f32 = jnp.float32
    src = edge_index[0]
    dst = edge_index[1]
    ones16 = jnp.ones((CH, 16), f32)
    zeros16 = jnp.zeros((N_PAD, 16), f32)
    zeros48 = jnp.zeros((N_PAD, D2P), f32)
    zeros128 = jnp.zeros((N_PAD, D_HID), f32)
    W2p = jnp.zeros((D_HID, D2P), f32).at[:, :N_CLS].set(W2)
    b1r = b1.reshape(1, D_HID)
    b2p = jnp.zeros((1, D2P), f32).at[0, :N_CLS].set(b2)

    grid = N // _BLK
    dst3 = dst.reshape(NW, E_PER_W // CH, CH)

    deg_parts = _deg_pass(dst3, ones16, zeros16)

    dinv16, y1 = pl.pallas_call(
        _y1_body,
        grid=(grid,),
        in_specs=[pl.BlockSpec((NC, _BLK, 16), lambda i: (0, i, 0)),
                  pl.BlockSpec((_BLK, D_IN), lambda i: (i, 0)),
                  pl.BlockSpec((D_IN, D_HID), lambda i: (0, 0))],
        out_specs=[pl.BlockSpec((_BLK, 16), lambda i: (i, 0)),
                   pl.BlockSpec((_BLK, D_HID), lambda i: (i, 0))],
        out_shape=[jax.ShapeDtypeStruct((N, 16), f32),
                   jax.ShapeDtypeStruct((N, D_HID), f32)],
    )(deg_parts, x, W1)

    p1 = _agg128(y1, src, dst3, zeros128)

    y2 = pl.pallas_call(
        _layer2_body,
        grid=(grid,),
        in_specs=[pl.BlockSpec((NC, _BLK, D_HID), lambda i: (0, i, 0)),
                  pl.BlockSpec((_BLK, D_HID), lambda i: (i, 0)),
                  pl.BlockSpec((_BLK, 16), lambda i: (i, 0)),
                  pl.BlockSpec((1, D_HID), lambda i: (0, 0)),
                  pl.BlockSpec((D_HID, D2P), lambda i: (0, 0))],
        out_specs=pl.BlockSpec((_BLK, D2P), lambda i: (i, 0)),
        out_shape=jax.ShapeDtypeStruct((N, D2P), f32),
    )(p1, y1, dinv16, b1r, W2p)

    p2 = _agg48(y2, src, dst3, zeros48)

    outp = pl.pallas_call(
        _epilogue_body,
        grid=(grid,),
        in_specs=[pl.BlockSpec((NC, _BLK, D2P), lambda i: (0, i, 0)),
                  pl.BlockSpec((_BLK, D2P), lambda i: (i, 0)),
                  pl.BlockSpec((_BLK, 16), lambda i: (i, 0)),
                  pl.BlockSpec((1, D2P), lambda i: (0, 0))],
        out_specs=pl.BlockSpec((_BLK, D2P), lambda i: (i, 0)),
        out_shape=jax.ShapeDtypeStruct((N, D2P), f32),
    )(p2, y2, dinv16, b2p)

    return outp[:, :N_CLS]

# --- scband reference (transcript-rebuilt; emitter-appended) ---
"""Pipeline reference for scband-gcnnode-73332271612103 (READ-ONLY COPY).

The authoritative reference and input builder live on the scoring server;
editing this copy changes nothing except your own understanding.
"""

import jax, jax.numpy as jnp
import numpy as np

N = 10000
E = 320000
D_IN = 128
D_HID = 128
N_CLS = 40


def setup_inputs(seed: int = 0) -> dict:
    key = jax.random.key(seed)
    k1, k2, k3, k4 = jax.random.split(key, 4)
    x = jax.random.normal(k1, (N, D_IN), dtype=jnp.float32)
    edge_index = jax.random.randint(k2, (2, E), 0, N, dtype=jnp.int32)
    W1 = jax.random.normal(k3, (D_IN, D_HID), dtype=jnp.float32) * (1.0 / np.sqrt(D_IN))
    b1 = jnp.zeros((D_HID,), dtype=jnp.float32)
    W2 = jax.random.normal(k4, (D_HID, N_CLS), dtype=jnp.float32) * (1.0 / np.sqrt(D_HID))
    b2 = jnp.zeros((N_CLS,), dtype=jnp.float32)
    return {"x": x, "edge_index": edge_index, "W1": W1, "b1": b1, "W2": W2, "b2": b2}


def gcn_conv(x, edge_index, W, b):
    # PyG-style GCNConv: add self-loops, symmetric normalization, linear transform
    src = edge_index[0]
    dst = edge_index[1]
    loop = jnp.arange(N, dtype=src.dtype)
    src = jnp.concatenate([src, loop])
    dst = jnp.concatenate([dst, loop])
    deg = jax.ops.segment_sum(jnp.ones_like(dst, dtype=x.dtype), dst, num_segments=N)
    dinv = jax.lax.rsqrt(jnp.clip(deg, 1.0, None))
    norm = dinv[src] * dinv[dst]
    xw = x @ W
    msg = jnp.take(xw, src, axis=0) * norm[:, None]
    out = jax.ops.segment_sum(msg, dst, num_segments=N)
    return out + b


def reference(x, edge_index, W1, b1, W2, b2):
    h = jax.nn.relu(gcn_conv(x, edge_index, W1, b1))
    return gcn_conv(h, edge_index, W2, b2)

if __name__ == "__main__":
    import jax
    _d = setup_inputs()
    print(jax.jit(kernel)(*tuple(_d.values())))

</pallas_src>

<mosaic_0001>
#map = affine_map<(d0, d1) -> (0, 0)>
#map1 = affine_map<(d0, d1) -> (0)>
#map2 = affine_map<(d0, d1) -> (0, 0, 0)>
module attributes {stable_mosaic.version = 14 : i64} {
  func.func @body_fn(%arg0: i32, %arg1: i32, %arg2: memref<10000x48xf32, #tpu.memory_space<hbm>>, %arg3: memref<320000xi32, #tpu.memory_space<hbm>>, %arg4: memref<32x125x80xi32, #tpu.memory_space<hbm>>, %arg5: memref<10240x48xf32, #tpu.memory_space<hbm>>, %arg6: memref<2x10240x48xf32, #tpu.memory_space<hbm>>, %arg7: memref<10000xi32, #tpu.memory_space<vmem>>, %arg8: memref<125x80xi32, #tpu.memory_space<vmem>>, %arg9: memref<80x48xf32, #tpu.memory_space<vmem>>, %arg10: memref<80x48xf32, #tpu.memory_space<vmem>>, %arg11: memref<10240x48xf32, #tpu.memory_space<vmem_shared>>, %arg12: memref<!tpu.dma_semaphore, #tpu.memory_space<semaphore_mem>>, %arg13: memref<!tpu.dma_semaphore, #tpu.memory_space<semaphore_mem>>, %arg14: memref<!tpu.dma_semaphore, #tpu.memory_space<semaphore_mem>>, %arg15: memref<!tpu.dma_semaphore, #tpu.memory_space<semaphore_mem>>) attributes {dimension_semantics = [#tpu.dimension_semantics<core_parallel>, #tpu.dimension_semantics<subcore_parallel>], iteration_bounds = array<i64: 2, 16>, scalar_prefetch = 0 : i64, scratch_operands = 9 : i64, tpu.core_type = #tpu.core_type<sc_vector_subcore>, window_params = [{transform_indices = #map}, {transform_indices = #map1}, {transform_indices = #map2}, {transform_indices = #map}, {transform_indices = #map2}]} {
    %mul3A = arith.constant 16 : i32
    %mul3A_0 = arith.muli %arg0, %mul3A : i32
    %add3A = arith.addi %mul3A_0, %arg1 : i32
    %mul3A_1 = arith.constant 10000 : i32
    %mul3A_2 = arith.muli %add3A, %mul3A_1 : i32
    %mul3A_3 = arith.constant 640 : i32
    %mul3A_4 = arith.muli %arg1, %mul3A_3 : i32
    "tpu.region"() ({
      %run_scoped3A = tpu.sem_alloc : memref<!tpu.dma_semaphore, #tpu.memory_space<semaphore_mem>>
      %dma_start3A_81 = tpu.memref_slice %arg3[%mul3A_2] : memref<320000xi32, #tpu.memory_space<hbm>> -> memref<10000xi32, #tpu.memory_space<hbm>>
      %dma_start3A_82 = tpu.memref_slice %arg3[%mul3A_2] : memref<320000xi32, #tpu.memory_space<hbm>> -> memref<10000xi32, #tpu.memory_space<hbm>>
      tpu.enqueue_dma source(%dma_start3A_82 : memref<10000xi32, #tpu.memory_space<hbm>>) target(%arg7 : memref<10000xi32, #tpu.memory_space<vmem>>) target_semaphore(%run_scoped3A : memref<!tpu.dma_semaphore, #tpu.memory_space<semaphore_mem>>)
      %dma_wait3A_83 = tpu.memref_slice %arg3[%mul3A_2] : memref<320000xi32, #tpu.memory_space<hbm>> -> memref<10000xi32, #tpu.memory_space<hbm>>
      %dma_wait3A_84 = tpu.memref_slice %arg3[%mul3A_2] : memref<320000xi32, #tpu.memory_space<hbm>> -> memref<10000xi32, #tpu.memory_space<hbm>>
      tpu.wait_dma2 semaphore(%run_scoped3A : memref<!tpu.dma_semaphore, #tpu.memory_space<semaphore_mem>>) src(%dma_wait3A_84 : memref<10000xi32, #tpu.memory_space<hbm>>) dst(%arg7 : memref<10000xi32, #tpu.memory_space<vmem>>)
      tpu.yield
    }) : () -> ()
    "tpu.region"() ({
      %run_scoped3A = tpu.sem_alloc : memref<!tpu.dma_semaphore, #tpu.memory_space<semaphore_mem>>
      %dma_start3A_81 = arith.constant 0 : i32
      %dma_start3A_82 = arith.constant 0 : i32
      %dma_start3A_83 = tpu.memref_slice %arg4[%add3A, %dma_start3A_81, %dma_start3A_82] : memref<32x125x80xi32, #tpu.memory_space<hbm>> -> memref<1x125x80xi32, #tpu.memory_space<hbm>>
      %dma_start3A_84 = tpu.memref_squeeze %dma_start3A_83 : memref<1x125x80xi32, #tpu.memory_space<hbm>> -> memref<125x80xi32, #tpu.memory_space<hbm>>
      %dma_start3A_85 = arith.constant 0 : i32
      %dma_start3A_86 = arith.constant 0 : i32
      %dma_start3A_87 = tpu.memref_slice %arg4[%add3A, %dma_start3A_85, %dma_start3A_86] : memref<32x125x80xi32, #tpu.memory_space<hbm>> -> memref<1x125x80xi32, #tpu.memory_space<hbm>>
      %dma_start3A_88 = tpu.memref_squeeze %dma_start3A_87 : memref<1x125x80xi32, #tpu.memory_space<hbm>> -> memref<125x80xi32, #tpu.memory_space<hbm>>
      tpu.enqueue_dma source(%dma_start3A_88 : memref<125x80xi32, #tpu.memory_space<hbm>>) target(%arg8 : memref<125x80xi32, #tpu.memory_space<vmem>>) target_semaphore(%run_scoped3A : memref<!tpu.dma_semaphore, #tpu.memory_space<semaphore_mem>>)
      %dma_wait3A_89 = arith.constant 0 : i32
      %dma_wait3A_90 = arith.constant 0 : i32
      %dma_wait3A_91 = tpu.memref_slice %arg4[%add3A, %dma_wait3A_89, %dma_wait3A_90] : memref<32x125x80xi32, #tpu.memory_space<hbm>> -> memref<1x125x80xi32, #tpu.memory_space<hbm>>
      %dma_wait3A_92 = tpu.memref_squeeze %dma_wait3A_91 : memref<1x125x80xi32, #tpu.memory_space<hbm>> -> memref<125x80xi32, #tpu.memory_space<hbm>>
      %dma_wait3A_93 = arith.constant 0 : i32
      %dma_wait3A_94 = arith.constant 0 : i32
      %dma_wait3A_95 = tpu.memref_slice %arg4[%add3A, %dma_wait3A_93, %dma_wait3A_94] : memref<32x125x80xi32, #tpu.memory_space<hbm>> -> memref<1x125x80xi32, #tpu.memory_space<hbm>>
      %dma_wait3A_96 = tpu.memref_squeeze %dma_wait3A_95 : memref<1x125x80xi32, #tpu.memory_space<hbm>> -> memref<125x80xi32, #tpu.memory_space<hbm>>
      tpu.wait_dma2 semaphore(%run_scoped3A : memref<!tpu.dma_semaphore, #tpu.memory_space<semaphore_mem>>) src(%dma_wait3A_96 : memref<125x80xi32, #tpu.memory_space<hbm>>) dst(%arg8 : memref<125x80xi32, #tpu.memory_space<vmem>>)
      tpu.yield
    }) : () -> ()
    %dma_start3A = arith.constant 0 : i32
    %dma_start3A_5 = tpu.memref_slice %arg7[%dma_start3A] : memref<10000xi32, #tpu.memory_space<vmem>> -> memref<80xi32, #tpu.memory_space<vmem>>
    %dma_start3A_6 = arith.constant 0 : i32
    %dma_start3A_7 = arith.constant 0 : i32
    %dma_start3A_8 = tpu.memref_slice %arg2[%dma_start3A_6, %dma_start3A_7] : memref<10000x48xf32, #tpu.memory_space<hbm>> -> memref<10000x48xf32, #tpu.memory_space<hbm>>
    tpu.enqueue_indirect_dma source(%dma_start3A_8 : memref<10000x48xf32, #tpu.memory_space<hbm>>) target(%arg9 : memref<80x48xf32, #tpu.memory_space<vmem>>) offsets(%dma_start3A_5 : memref<80xi32, #tpu.memory_space<vmem>>) semaphore(%arg12 : memref<!tpu.dma_semaphore, #tpu.memory_space<semaphore_mem>>)
    "tpu.region"() ({
      %run_scoped3A = tpu.sem_alloc : memref<!tpu.dma_semaphore, #tpu.memory_space<semaphore_mem>>
      %dma_start3A_81 = arith.constant 0 : i32
      %dma_start3A_82 = tpu.memref_slice %arg11[%mul3A_4, %dma_start3A_81] : memref<10240x48xf32, #tpu.memory_space<vmem_shared>> -> memref<640x48xf32, #tpu.memory_space<vmem_shared>>
      %dma_start3A_83 = arith.constant 0 : i32
      %dma_start3A_84 = tpu.memref_slice %arg5[%mul3A_4, %dma_start3A_83] : memref<10240x48xf32, #tpu.memory_space<hbm>> -> memref<640x48xf32, #tpu.memory_space<hbm>>
      tpu.enqueue_dma source(%dma_start3A_84 : memref<640x48xf32, #tpu.memory_space<hbm>>) target(%dma_start3A_82 : memref<640x48xf32, #tpu.memory_space<vmem_shared>>) target_semaphore(%run_scoped3A : memref<!tpu.dma_semaphore, #tpu.memory_space<semaphore_mem>>)
      %dma_wait3A_85 = arith.constant 0 : i32
      %dma_wait3A_86 = tpu.memref_slice %arg11[%mul3A_4, %dma_wait3A_85] : memref<10240x48xf32, #tpu.memory_space<vmem_shared>> -> memref<640x48xf32, #tpu.memory_space<vmem_shared>>
      %dma_wait3A_87 = arith.constant 0 : i32
      %dma_wait3A_88 = tpu.memref_slice %arg5[%mul3A_4, %dma_wait3A_87] : memref<10240x48xf32, #tpu.memory_space<hbm>> -> memref<640x48xf32, #tpu.memory_space<hbm>>
      tpu.wait_dma2 semaphore(%run_scoped3A : memref<!tpu.dma_semaphore, #tpu.memory_space<semaphore_mem>>) src(%dma_wait3A_88 : memref<640x48xf32, #tpu.memory_space<hbm>>) dst(%dma_wait3A_86 : memref<640x48xf32, #tpu.memory_space<vmem_shared>>)
      tpu.yield
    }) : () -> ()
    %barrier3A = arith.constant 0 : index
    tpu.barrier barrier_id(%barrier3A)
    %dma_wait3A = arith.constant 0 : i32
    %dma_wait3A_9 = tpu.memref_slice %arg7[%dma_wait3A] : memref<10000xi32, #tpu.memory_space<vmem>> -> memref<80xi32, #tpu.memory_space<vmem>>
    %dma_wait3A_10 = arith.constant 0 : i32
    %dma_wait3A_11 = arith.constant 0 : i32
    %dma_wait3A_12 = tpu.memref_slice %arg2[%dma_wait3A_10, %dma_wait3A_11] : memref<10000x48xf32, #tpu.memory_space<hbm>> -> memref<10000x48xf32, #tpu.memory_space<hbm>>
    tpu.wait_indirect_dma semaphore(%arg12 : memref<!tpu.dma_semaphore, #tpu.memory_space<semaphore_mem>>) src(%dma_wait3A_12 : memref<10000x48xf32, #tpu.memory_space<hbm>>) dst(%arg9 : memref<80x48xf32, #tpu.memory_space<vmem>>)
    %dma_start3A_13 = arith.constant 0 : i32
    %dma_start3A_14 = arith.constant 0 : i32
    %dma_start3A_15 = tpu.memref_slice %arg8[%dma_start3A_13, %dma_start3A_14] : memref<125x80xi32, #tpu.memory_space<vmem>> -> memref<1x80xi32, #tpu.memory_space<vmem>>
    %dma_start3A_16 = tpu.memref_squeeze %dma_start3A_15 : memref<1x80xi32, #tpu.memory_space<vmem>> -> memref<80xi32, #tpu.memory_space<vmem>>
    %dma_start3A_17 = arith.constant 0 : i32
    %dma_start3A_18 = arith.constant 0 : i32
    %dma_start3A_19 = tpu.memref_slice %arg11[%dma_start3A_17, %dma_start3A_18] : memref<10240x48xf32, #tpu.memory_space<vmem_shared>> -> memref<10240x48xf32, #tpu.memory_space<vmem_shared>>
    tpu.enqueue_indirect_dma source(%arg9 : memref<80x48xf32, #tpu.memory_space<vmem>>) target(%dma_start3A_19 : memref<10240x48xf32, #tpu.memory_space<vmem_shared>>) offsets(%dma_start3A_16 : memref<80xi32, #tpu.memory_space<vmem>>) semaphore(%arg14 : memref<!tpu.dma_semaphore, #tpu.memory_space<semaphore_mem>>) {add = true}
    %dma_start3A_20 = arith.constant 80 : i32
    %dma_start3A_21 = tpu.memref_slice %arg7[%dma_start3A_20] : memref<10000xi32, #tpu.memory_space<vmem>> -> memref<80xi32, #tpu.memory_space<vmem>>
    %dma_start3A_22 = arith.constant 0 : i32
    %dma_start3A_23 = arith.constant 0 : i32
    %dma_start3A_24 = tpu.memref_slice %arg2[%dma_start3A_22, %dma_start3A_23] : memref<10000x48xf32, #tpu.memory_space<hbm>> -> memref<10000x48xf32, #tpu.memory_space<hbm>>
    tpu.enqueue_indirect_dma source(%dma_start3A_24 : memref<10000x48xf32, #tpu.memory_space<hbm>>) target(%arg10 : memref<80x48xf32, #tpu.memory_space<vmem>>) offsets(%dma_start3A_21 : memref<80xi32, #tpu.memory_space<vmem>>) semaphore(%arg13 : memref<!tpu.dma_semaphore, #tpu.memory_space<semaphore_mem>>)
    %dma_wait3A_25 = arith.constant 0 : i32
    %dma_wait3A_26 = tpu.memref_slice %arg7[%dma_wait3A_25] : memref<10000xi32, #tpu.memory_space<vmem>> -> memref<80xi32, #tpu.memory_space<vmem>>
    %dma_wait3A_27 = arith.constant 0 : i32
    %dma_wait3A_28 = arith.constant 0 : i32
    %dma_wait3A_29 = tpu.memref_slice %arg2[%dma_wait3A_27, %dma_wait3A_28] : memref<10000x48xf32, #tpu.memory_space<hbm>> -> memref<10000x48xf32, #tpu.memory_space<hbm>>
    tpu.wait_indirect_dma semaphore(%arg13 : memref<!tpu.dma_semaphore, #tpu.memory_space<semaphore_mem>>) src(%dma_wait3A_29 : memref<10000x48xf32, #tpu.memory_space<hbm>>) dst(%arg10 : memref<80x48xf32, #tpu.memory_space<vmem>>)
    %dma_start3A_30 = arith.constant 1 : i32
    %dma_start3A_31 = arith.constant 0 : i32
    %dma_start3A_32 = tpu.memref_slice %arg8[%dma_start3A_30, %dma_start3A_31] : memref<125x80xi32, #tpu.memory_space<vmem>> -> memref<1x80xi32, #tpu.memory_space<vmem>>
    %dma_start3A_33 = tpu.memref_squeeze %dma_start3A_32 : memref<1x80xi32, #tpu.memory_space<vmem>> -> memref<80xi32, #tpu.memory_space<vmem>>
    %dma_start3A_34 = arith.constant 0 : i32
    %dma_start3A_35 = arith.constant 0 : i32
    %dma_start3A_36 = tpu.memref_slice %arg11[%dma_start3A_34, %dma_start3A_35] : memref<10240x48xf32, #tpu.memory_space<vmem_shared>> -> memref<10240x48xf32, #tpu.memory_space<vmem_shared>>
    tpu.enqueue_indirect_dma source(%arg10 : memref<80x48xf32, #tpu.memory_space<vmem>>) target(%dma_start3A_36 : memref<10240x48xf32, #tpu.memory_space<vmem_shared>>) offsets(%dma_start3A_33 : memref<80xi32, #tpu.memory_space<vmem>>) semaphore(%arg15 : memref<!tpu.dma_semaphore, #tpu.memory_space<semaphore_mem>>) {add = true}
    %dma_wait3A_37 = arith.constant 0 : i32
    %dma_wait3A_38 = arith.constant 0 : i32
    %dma_wait3A_39 = tpu.memref_slice %arg8[%dma_wait3A_37, %dma_wait3A_38] : memref<125x80xi32, #tpu.memory_space<vmem>> -> memref<1x80xi32, #tpu.memory_space<vmem>>
    %dma_wait3A_40 = tpu.memref_squeeze %dma_wait3A_39 : memref<1x80xi32, #tpu.memory_space<vmem>> -> memref<80xi32, #tpu.memory_space<vmem>>
    %dma_wait3A_41 = arith.constant 0 : i32
    %dma_wait3A_42 = arith.constant 0 : i32
    %dma_wait3A_43 = tpu.memref_slice %arg11[%dma_wait3A_41, %dma_wait3A_42] : memref<10240x48xf32, #tpu.memory_space<vmem_shared>> -> memref<10240x48xf32, #tpu.memory_space<vmem_shared>>
    tpu.wait_indirect_dma semaphore(%arg14 : memref<!tpu.dma_semaphore, #tpu.memory_space<semaphore_mem>>) src(%arg9 : memref<80x48xf32, #tpu.memory_space<vmem>>) dst(%dma_wait3A_43 : memref<10240x48xf32, #tpu.memory_space<vmem_shared>>)
    %dma_start3A_44 = arith.constant 160 : i32
    %dma_start3A_45 = tpu.memref_slice %arg7[%dma_start3A_44] : memref<10000xi32, #tpu.memory_space<vmem>> -> memref<80xi32, #tpu.memory_space<vmem>>
    %dma_start3A_46 = arith.constant 0 : i32
    %dma_start3A_47 = arith.constant 0 : i32
    %dma_start3A_48 = tpu.memref_slice %arg2[%dma_start3A_46, %dma_start3A_47] : memref<10000x48xf32, #tpu.memory_space<hbm>> -> memref<10000x48xf32, #tpu.memory_space<hbm>>
    tpu.enqueue_indirect_dma source(%dma_start3A_48 : memref<10000x48xf32, #tpu.memory_space<hbm>>) target(%arg9 : memref<80x48xf32, #tpu.memory_space<vmem>>) offsets(%dma_start3A_45 : memref<80xi32, #tpu.memory_space<vmem>>) semaphore(%arg12 : memref<!tpu.dma_semaphore, #tpu.memory_space<semaphore_mem>>)
    %scan3A = arith.constant 0 : i32
    %scan3A_49 = arith.constant 0 : i32
    %scan3A_50 = arith.constant 61 : i32
    %scan3A_51 = arith.addi %scan3A_49, %scan3A_50 : i32
    %scan3A_52 = arith.constant 1 : i32
    scf.for %scan3A_81 = %scan3A_49 to %scan3A_51 step %scan3A_52  : i32 {
      %mul3A_82 = arith.constant 2 : i32
      %mul3A_83 = arith.muli %mul3A_82, %scan3A_81 : i32
      %add3A_84 = arith.constant 2 : i32
      %add3A_85 = arith.addi %mul3A_83, %add3A_84 : i32
      %dma_wait3A_86 = arith.constant 0 : i32
      %dma_wait3A_87 = tpu.memref_slice %arg7[%dma_wait3A_86] : memref<10000xi32, #tpu.memory_space<vmem>> -> memref<80xi32, #tpu.memory_space<vmem>>
      %dma_wait3A_88 = arith.constant 0 : i32
      %dma_wait3A_89 = arith.constant 0 : i32
      %dma_wait3A_90 = tpu.memref_slice %arg2[%dma_wait3A_88, %dma_wait3A_89] : memref<10000x48xf32, #tpu.memory_space<hbm>> -> memref<10000x48xf32, #tpu.memory_space<hbm>>
      tpu.wait_indirect_dma semaphore(%arg12 : memref<!tpu.dma_semaphore, #tpu.memory_space<semaphore_mem>>) src(%dma_wait3A_90 : memref<10000x48xf32, #tpu.memory_space<hbm>>) dst(%arg9 : memref<80x48xf32, #tpu.memory_space<vmem>>)
      %dma_start3A_91 = arith.constant 0 : i32
      %dma_start3A_92 = tpu.memref_slice %arg8[%add3A_85, %dma_start3A_91] : memref<125x80xi32, #tpu.memory_space<vmem>> -> memref<1x80xi32, #tpu.memory_space<vmem>>
      %dma_start3A_93 = tpu.memref_squeeze %dma_start3A_92 : memref<1x80xi32, #tpu.memory_space<vmem>> -> memref<80xi32, #tpu.memory_space<vmem>>
      %dma_start3A_94 = arith.constant 0 : i32
      %dma_start3A_95 = arith.constant 0 : i32
      %dma_start3A_96 = tpu.memref_slice %arg11[%dma_start3A_94, %dma_start3A_95] : memref<10240x48xf32, #tpu.memory_space<vmem_shared>> -> memref<10240x48xf32, #tpu.memory_space<vmem_shared>>
      tpu.enqueue_indirect_dma source(%arg9 : memref<80x48xf32, #tpu.memory_space<vmem>>) target(%dma_start3A_96 : memref<10240x48xf32, #tpu.memory_space<vmem_shared>>) offsets(%dma_start3A_93 : memref<80xi32, #tpu.memory_space<vmem>>) semaphore(%arg14 : memref<!tpu.dma_semaphore, #tpu.memory_space<semaphore_mem>>) {add = true}
      %dma_wait3A_97 = arith.constant 0 : i32
      %dma_wait3A_98 = arith.constant 0 : i32
      %dma_wait3A_99 = tpu.memref_slice %arg8[%dma_wait3A_97, %dma_wait3A_98] : memref<125x80xi32, #tpu.memory_space<vmem>> -> memref<1x80xi32, #tpu.memory_space<vmem>>
      %dma_wait3A_100 = tpu.memref_squeeze %dma_wait3A_99 : memref<1x80xi32, #tpu.memory_space<vmem>> -> memref<80xi32, #tpu.memory_space<vmem>>
      %dma_wait3A_101 = arith.constant 0 : i32
      %dma_wait3A_102 = arith.constant 0 : i32
      %dma_wait3A_103 = tpu.memref_slice %arg11[%dma_wait3A_101, %dma_wait3A_102] : memref<10240x48xf32, #tpu.memory_space<vmem_shared>> -> memref<10240x48xf32, #tpu.memory_space<vmem_shared>>
      tpu.wait_indirect_dma semaphore(%arg15 : memref<!tpu.dma_semaphore, #tpu.memory_space<semaphore_mem>>) src(%arg10 : memref<80x48xf32, #tpu.memory_space<vmem>>) dst(%dma_wait3A_103 : memref<10240x48xf32, #tpu.memory_space<vmem_shared>>)
      %add3A_104 = arith.constant 1 : i32
      %add3A_105 = arith.addi %add3A_85, %add3A_104 : i32
      %mul3A_106 = arith.constant 80 : i32
      %mul3A_107 = arith.muli %add3A_105, %mul3A_106 : i32
      %dma_start3A_108 = tpu.memref_slice %arg7[%mul3A_107] : memref<10000xi32, #tpu.memory_space<vmem>> -> memref<80xi32, #tpu.memory_space<vmem>>
      %dma_start3A_109 = arith.constant 0 : i32
      %dma_start3A_110 = arith.constant 0 : i32
      %dma_start3A_111 = tpu.memref_slice %arg2[%dma_start3A_109, %dma_start3A_110] : memref<10000x48xf32, #tpu.memory_space<hbm>> -> memref<10000x48xf32, #tpu.memory_space<hbm>>
      tpu.enqueue_indirect_dma source(%dma_start3A_111 : memref<10000x48xf32, #tpu.memory_space<hbm>>) target(%arg10 : memref<80x48xf32, #tpu.memory_space<vmem>>) offsets(%dma_start3A_108 : memref<80xi32, #tpu.memory_space<vmem>>) semaphore(%arg13 : memref<!tpu.dma_semaphore, #tpu.memory_space<semaphore_mem>>)
      %mul3A_112 = arith.constant 2 : i32
      %mul3A_113 = arith.muli %mul3A_112, %scan3A_81 : i32
      %add3A_114 = arith.constant 3 : i32
      %add3A_115 = arith.addi %mul3A_113, %add3A_114 : i32
      %dma_wait3A_116 = arith.constant 0 : i32
      %dma_wait3A_117 = tpu.memref_slice %arg7[%dma_wait3A_116] : memref<10000xi32, #tpu.memory_space<vmem>> -> memref<80xi32, #tpu.memory_space<vmem>>
      %dma_wait3A_118 = arith.constant 0 : i32
      %dma_wait3A_119 = arith.constant 0 : i32
      %dma_wait3A_120 = tpu.memref_slice %arg2[%dma_wait3A_118, %dma_wait3A_119] : memref<10000x48xf32, #tpu.memory_space<hbm>> -> memref<10000x48xf32, #tpu.memory_space<hbm>>
      tpu.wait_indirect_dma semaphore(%arg13 : memref<!tpu.dma_semaphore, #tpu.memory_space<semaphore_mem>>) src(%dma_wait3A_120 : memref<10000x48xf32, #tpu.memory_space<hbm>>) dst(%arg10 : memref<80x48xf32, #tpu.memory_space<vmem>>)
      %dma_start3A_121 = arith.constant 0 : i32
      %dma_start3A_122 = tpu.memref_slice %arg8[%add3A_115, %dma_start3A_121] : memref<125x80xi32, #tpu.memory_space<vmem>> -> memref<1x80xi32, #tpu.memory_space<vmem>>
      %dma_start3A_123 = tpu.memref_squeeze %dma_start3A_122 : memref<1x80xi32, #tpu.memory_space<vmem>> -> memref<80xi32, #tpu.memory_space<vmem>>
      %dma_start3A_124 = arith.constant 0 : i32
      %dma_start3A_125 = arith.constant 0 : i32
      %dma_start3A_126 = tpu.memref_slice %arg11[%dma_start3A_124, %dma_start3A_125] : memref<10240x48xf32, #tpu.memory_space<vmem_shared>> -> memref<10240x48xf32, #tpu.memory_space<vmem_shared>>
      tpu.enqueue_indirect_dma source(%arg10 : memref<80x48xf32, #tpu.memory_space<vmem>>) target(%dma_start3A_126 : memref<10240x48xf32, #tpu.memory_space<vmem_shared>>) offsets(%dma_start3A_123 : memref<80xi32, #tpu.memory_space<vmem>>) semaphore(%arg15 : memref<!tpu.dma_semaphore, #tpu.memory_space<semaphore_mem>>) {add = true}
      %dma_wait3A_127 = arith.constant 0 : i32
      %dma_wait3A_128 = arith.constant 0 : i32
      %dma_wait3A_129 = tpu.memref_slice %arg8[%dma_wait3A_127, %dma_wait3A_128] : memref<125x80xi32, #tpu.memory_space<vmem>> -> memref<1x80xi32, #tpu.memory_space<vmem>>
      %dma_wait3A_130 = tpu.memref_squeeze %dma_wait3A_129 : memref<1x80xi32, #tpu.memory_space<vmem>> -> memref<80xi32, #tpu.memory_space<vmem>>
      %dma_wait3A_131 = arith.constant 0 : i32
      %dma_wait3A_132 = arith.constant 0 : i32
      %dma_wait3A_133 = tpu.memref_slice %arg11[%dma_wait3A_131, %dma_wait3A_132] : memref<10240x48xf32, #tpu.memory_space<vmem_shared>> -> memref<10240x48xf32, #tpu.memory_space<vmem_shared>>
      tpu.wait_indirect_dma semaphore(%arg14 : memref<!tpu.dma_semaphore, #tpu.memory_space<semaphore_mem>>) src(%arg9 : memref<80x48xf32, #tpu.memory_space<vmem>>) dst(%dma_wait3A_133 : memref<10240x48xf32, #tpu.memory_space<vmem_shared>>)
      %add3A_134 = arith.constant 1 : i32
      %add3A_135 = arith.addi %add3A_115, %add3A_134 : i32
      %mul3A_136 = arith.constant 80 : i32
      %mul3A_137 = arith.muli %add3A_135, %mul3A_136 : i32
      %dma_start3A_138 = tpu.memref_slice %arg7[%mul3A_137] : memref<10000xi32, #tpu.memory_space<vmem>> -> memref<80xi32, #tpu.memory_space<vmem>>
      %dma_start3A_139 = arith.constant 0 : i32
      %dma_start3A_140 = arith.constant 0 : i32
      %dma_start3A_141 = tpu.memref_slice %arg2[%dma_start3A_139, %dma_start3A_140] : memref<10000x48xf32, #tpu.memory_space<hbm>> -> memref<10000x48xf32, #tpu.memory_space<hbm>>
      tpu.enqueue_indirect_dma source(%dma_start3A_141 : memref<10000x48xf32, #tpu.memory_space<hbm>>) target(%arg9 : memref<80x48xf32, #tpu.memory_space<vmem>>) offsets(%dma_start3A_138 : memref<80xi32, #tpu.memory_space<vmem>>) semaphore(%arg12 : memref<!tpu.dma_semaphore, #tpu.memory_space<semaphore_mem>>)
    }
    %scan3A_53 = arith.constant 61 : i32
    %dma_wait3A_54 = arith.constant 0 : i32
    %dma_wait3A_55 = tpu.memref_slice %arg7[%dma_wait3A_54] : memref<10000xi32, #tpu.memory_space<vmem>> -> memref<80xi32, #tpu.memory_space<vmem>>
    %dma_wait3A_56 = arith.constant 0 : i32
    %dma_wait3A_57 = arith.constant 0 : i32
    %dma_wait3A_58 = tpu.memref_slice %arg2[%dma_wait3A_56, %dma_wait3A_57] : memref<10000x48xf32, #tpu.memory_space<hbm>> -> memref<10000x48xf32, #tpu.memory_space<hbm>>
    tpu.wait_indirect_dma semaphore(%arg12 : memref<!tpu.dma_semaphore, #tpu.memory_space<semaphore_mem>>) src(%dma_wait3A_58 : memref<10000x48xf32, #tpu.memory_space<hbm>>) dst(%arg9 : memref<80x48xf32, #tpu.memory_space<vmem>>)
    %dma_start3A_59 = arith.constant 124 : i32
    %dma_start3A_60 = arith.constant 0 : i32
    %dma_start3A_61 = tpu.memref_slice %arg8[%dma_start3A_59, %dma_start3A_60] : memref<125x80xi32, #tpu.memory_space<vmem>> -> memref<1x80xi32, #tpu.memory_space<vmem>>
    %dma_start3A_62 = tpu.memref_squeeze %dma_start3A_61 : memref<1x80xi32, #tpu.memory_space<vmem>> -> memref<80xi32, #tpu.memory_space<vmem>>
    %dma_start3A_63 = arith.constant 0 : i32
    %dma_start3A_64 = arith.constant 0 : i32
    %dma_start3A_65 = tpu.memref_slice %arg11[%dma_start3A_63, %dma_start3A_64] : memref<10240x48xf32, #tpu.memory_space<vmem_shared>> -> memref<10240x48xf32, #tpu.memory_space<vmem_shared>>
    tpu.enqueue_indirect_dma source(%arg9 : memref<80x48xf32, #tpu.memory_space<vmem>>) target(%dma_start3A_65 : memref<10240x48xf32, #tpu.memory_space<vmem_shared>>) offsets(%dma_start3A_62 : memref<80xi32, #tpu.memory_space<vmem>>) semaphore(%arg14 : memref<!tpu.dma_semaphore, #tpu.memory_space<semaphore_mem>>) {add = true}
    %dma_wait3A_66 = arith.constant 0 : i32
    %dma_wait3A_67 = arith.constant 0 : i32
    %dma_wait3A_68 = tpu.memref_slice %arg8[%dma_wait3A_66, %dma_wait3A_67] : memref<125x80xi32, #tpu.memory_space<vmem>> -> memref<1x80xi32, #tpu.memory_space<vmem>>
    %dma_wait3A_69 = tpu.memref_squeeze %dma_wait3A_68 : memref<1x80xi32, #tpu.memory_space<vmem>> -> memref<80xi32, #tpu.memory_space<vmem>>
    %dma_wait3A_70 = arith.constant 0 : i32
    %dma_wait3A_71 = arith.constant 0 : i32
    %dma_wait3A_72 = tpu.memref_slice %arg11[%dma_wait3A_70, %dma_wait3A_71] : memref<10240x48xf32, #tpu.memory_space<vmem_shared>> -> memref<10240x48xf32, #tpu.memory_space<vmem_shared>>
    tpu.wait_indirect_dma semaphore(%arg15 : memref<!tpu.dma_semaphore, #tpu.memory_space<semaphore_mem>>) src(%arg10 : memref<80x48xf32, #tpu.memory_space<vmem>>) dst(%dma_wait3A_72 : memref<10240x48xf32, #tpu.memory_space<vmem_shared>>)
    %dma_wait3A_73 = arith.constant 0 : i32
    %dma_wait3A_74 = arith.constant 0 : i32
    %dma_wait3A_75 = tpu.memref_slice %arg8[%dma_wait3A_73, %dma_wait3A_74] : memref<125x80xi32, #tpu.memory_space<vmem>> -> memref<1x80xi32, #tpu.memory_space<vmem>>
    %dma_wait3A_76 = tpu.memref_squeeze %dma_wait3A_75 : memref<1x80xi32, #tpu.memory_space<vmem>> -> memref<80xi32, #tpu.memory_space<vmem>>
    %dma_wait3A_77 = arith.constant 0 : i32
    %dma_wait3A_78 = arith.constant 0 : i32
    %dma_wait3A_79 = tpu.memref_slice %arg11[%dma_wait3A_77, %dma_wait3A_78] : memref<10240x48xf32, #tpu.memory_space<vmem_shared>> -> memref<10240x48xf32, #tpu.memory_space<vmem_shared>>
    tpu.wait_indirect_dma semaphore(%arg14 : memref<!tpu.dma_semaphore, #tpu.memory_space<semaphore_mem>>) src(%arg9 : memref<80x48xf32, #tpu.memory_space<vmem>>) dst(%dma_wait3A_79 : memref<10240x48xf32, #tpu.memory_space<vmem_shared>>)
    %barrier3A_80 = arith.constant 0 : index
    tpu.barrier barrier_id(%barrier3A_80)
    "tpu.region"() ({
      %run_scoped3A = tpu.sem_alloc : memref<!tpu.dma_semaphore, #tpu.memory_space<semaphore_mem>>
      %dma_start3A_81 = arith.constant 0 : i32
      %dma_start3A_82 = tpu.memref_slice %arg6[%arg0, %mul3A_4, %dma_start3A_81] : memref<2x10240x48xf32, #tpu.memory_space<hbm>> -> memref<1x640x48xf32, #tpu.memory_space<hbm>>
      %dma_start3A_83 = tpu.memref_squeeze %dma_start3A_82 : memref<1x640x48xf32, #tpu.memory_space<hbm>> -> memref<640x48xf32, #tpu.memory_space<hbm>>
      %dma_start3A_84 = arith.constant 0 : i32
      %dma_start3A_85 = tpu.memref_slice %arg11[%mul3A_4, %dma_start3A_84] : memref<10240x48xf32, #tpu.memory_space<vmem_shared>> -> memref<640x48xf32, #tpu.memory_space<vmem_shared>>
      tpu.enqueue_dma source(%dma_start3A_85 : memref<640x48xf32, #tpu.memory_space<vmem_shared>>) target(%dma_start3A_83 : memref<640x48xf32, #tpu.memory_space<hbm>>) target_semaphore(%run_scoped3A : memref<!tpu.dma_semaphore, #tpu.memory_space<semaphore_mem>>)
      %dma_wait3A_86 = arith.constant 0 : i32
      %dma_wait3A_87 = tpu.memref_slice %arg6[%arg0, %mul3A_4, %dma_wait3A_86] : memref<2x10240x48xf32, #tpu.memory_space<hbm>> -> memref<1x640x48xf32, #tpu.memory_space<hbm>>
      %dma_wait3A_88 = tpu.memref_squeeze %dma_wait3A_87 : memref<1x640x48xf32, #tpu.memory_space<hbm>> -> memref<640x48xf32, #tpu.memory_space<hbm>>
      %dma_wait3A_89 = arith.constant 0 : i32
      %dma_wait3A_90 = tpu.memref_slice %arg11[%mul3A_4, %dma_wait3A_89] : memref<10240x48xf32, #tpu.memory_space<vmem_shared>> -> memref<640x48xf32, #tpu.memory_space<vmem_shared>>
      tpu.wait_dma2 semaphore(%run_scoped3A : memref<!tpu.dma_semaphore, #tpu.memory_space<semaphore_mem>>) src(%dma_wait3A_90 : memref<640x48xf32, #tpu.memory_space<vmem_shared>>) dst(%dma_wait3A_88 : memref<640x48xf32, #tpu.memory_space<hbm>>)
      tpu.yield
    }) : () -> ()
    return
  }
}

#map = affine_map<(d0, d1) -> (0, 0, 0)>
#map1 = affine_map<(d0, d1) -> (0, 0)>
module attributes {stable_mosaic.version = 14 : i64} {
  func.func @_deg_pass(%arg0: i32, %arg1: i32, %arg2: memref<32x125x80xi32, #tpu.memory_space<hbm>>, %arg3: memref<80x16xf32, #tpu.memory_space<hbm>>, %arg4: memref<10240x16xf32, #tpu.memory_space<hbm>>, %arg5: memref<2x10240x16xf32, #tpu.memory_space<hbm>>, %arg6: memref<80x16xf32, #tpu.memory_space<vmem>>, %arg7: memref<125x80xi32, #tpu.memory_space<vmem>>, %arg8: memref<10240x16xf32, #tpu.memory_space<vmem_shared>>, %arg9: memref<!tpu.dma_semaphore, #tpu.memory_space<semaphore_mem>>, %arg10: memref<!tpu.dma_semaphore, #tpu.memory_space<semaphore_mem>>) attributes {dimension_semantics = [#tpu.dimension_semantics<core_parallel>, #tpu.dimension_semantics<subcore_parallel>], iteration_bounds = array<i64: 2, 16>, scalar_prefetch = 0 : i64, scratch_operands = 5 : i64, tpu.core_type = #tpu.core_type<sc_vector_subcore>, window_params = [{transform_indices = #map}, {transform_indices = #map1}, {transform_indices = #map1}, {transform_indices = #map}]} {
    %mul3A = arith.constant 16 : i32
    %mul3A_0 = arith.muli %arg0, %mul3A : i32
    %add3A = arith.addi %mul3A_0, %arg1 : i32
    %mul3A_1 = arith.constant 640 : i32
    %mul3A_2 = arith.muli %arg1, %mul3A_1 : i32
    "tpu.region"() ({
      %run_scoped3A = tpu.sem_alloc : memref<!tpu.dma_semaphore, #tpu.memory_space<semaphore_mem>>
      tpu.enqueue_dma source(%arg3 : memref<80x16xf32, #tpu.memory_space<hbm>>) target(%arg6 : memref<80x16xf32, #tpu.memory_space<vmem>>) target_semaphore(%run_scoped3A : memref<!tpu.dma_semaphore, #tpu.memory_space<semaphore_mem>>)
      tpu.wait_dma2 semaphore(%run_scoped3A : memref<!tpu.dma_semaphore, #tpu.memory_space<semaphore_mem>>) src(%arg3 : memref<80x16xf32, #tpu.memory_space<hbm>>) dst(%arg6 : memref<80x16xf32, #tpu.memory_space<vmem>>)
      tpu.yield
    }) : () -> ()
    "tpu.region"() ({
      %run_scoped3A = tpu.sem_alloc : memref<!tpu.dma_semaphore, #tpu.memory_space<semaphore_mem>>
      %dma_start3A_217 = arith.constant 0 : i32
      %dma_start3A_218 = arith.constant 0 : i32
      %dma_start3A_219 = tpu.memref_slice %arg2[%add3A, %dma_start3A_217, %dma_start3A_218] : memref<32x125x80xi32, #tpu.memory_space<hbm>> -> memref<1x125x80xi32, #tpu.memory_space<hbm>>
      %dma_start3A_220 = tpu.memref_squeeze %dma_start3A_219 : memref<1x125x80xi32, #tpu.memory_space<hbm>> -> memref<125x80xi32, #tpu.memory_space<hbm>>
      %dma_start3A_221 = arith.constant 0 : i32
      %dma_start3A_222 = arith.constant 0 : i32
      %dma_start3A_223 = tpu.memref_slice %arg2[%add3A, %dma_start3A_221, %dma_start3A_222] : memref<32x125x80xi32, #tpu.memory_space<hbm>> -> memref<1x125x80xi32, #tpu.memory_space<hbm>>
      %dma_start3A_224 = tpu.memref_squeeze %dma_start3A_223 : memref<1x125x80xi32, #tpu.memory_space<hbm>> -> memref<125x80xi32, #tpu.memory_space<hbm>>
      tpu.enqueue_dma source(%dma_start3A_224 : memref<125x80xi32, #tpu.memory_space<hbm>>) target(%arg7 : memref<125x80xi32, #tpu.memory_space<vmem>>) target_semaphore(%run_scoped3A : memref<!tpu.dma_semaphore, #tpu.memory_space<semaphore_mem>>)
      %dma_wait3A_225 = arith.constant 0 : i32
      %dma_wait3A_226 = arith.constant 0 : i32
      %dma_wait3A_227 = tpu.memref_slice %arg2[%add3A, %dma_wait3A_225, %dma_wait3A_226] : memref<32x125x80xi32, #tpu.memory_space<hbm>> -> memref<1x125x80xi32, #tpu.memory_space<hbm>>
      %dma_wait3A_228 = tpu.memref_squeeze %dma_wait3A_227 : memref<1x125x80xi32, #tpu.memory_space<hbm>> -> memref<125x80xi32, #tpu.memory_space<hbm>>
      %dma_wait3A_229 = arith.constant 0 : i32
      %dma_wait3A_230 = arith.constant 0 : i32
      %dma_wait3A_231 = tpu.memref_slice %arg2[%add3A, %dma_wait3A_229, %dma_wait3A_230] : memref<32x125x80xi32, #tpu.memory_space<hbm>> -> memref<1x125x80xi32, #tpu.memory_space<hbm>>
      %dma_wait3A_232 = tpu.memref_squeeze %dma_wait3A_231 : memref<1x125x80xi32, #tpu.memory_space<hbm>> -> memref<125x80xi32, #tpu.memory_space<hbm>>
      tpu.wait_dma2 semaphore(%run_scoped3A : memref<!tpu.dma_semaphore, #tpu.memory_space<semaphore_mem>>) src(%dma_wait3A_232 : memref<125x80xi32, #tpu.memory_space<hbm>>) dst(%arg7 : memref<125x80xi32, #tpu.memory_space<vmem>>)
      tpu.yield
    }) : () -> ()
    "tpu.region"() ({
      %run_scoped3A = tpu.sem_alloc : memref<!tpu.dma_semaphore, #tpu.memory_space<semaphore_mem>>
      %dma_start3A_217 = arith.constant 0 : i32
      %dma_start3A_218 = tpu.memref_slice %arg8[%mul3A_2, %dma_start3A_217] : memref<10240x16xf32, #tpu.memory_space<vmem_shared>> -> memref<640x16xf32, #tpu.memory_space<vmem_shared>>
      %dma_start3A_219 = arith.constant 0 : i32
      %dma_start3A_220 = tpu.memref_slice %arg4[%mul3A_2, %dma_start3A_219] : memref<10240x16xf32, #tpu.memory_space<hbm>> -> memref<640x16xf32, #tpu.memory_space<hbm>>
      tpu.enqueue_dma source(%dma_start3A_220 : memref<640x16xf32, #tpu.memory_space<hbm>>) target(%dma_start3A_218 : memref<640x16xf32, #tpu.memory_space<vmem_shared>>) target_semaphore(%run_scoped3A : memref<!tpu.dma_semaphore, #tpu.memory_space<semaphore_mem>>)
      %dma_wait3A_221 = arith.constant 0 : i32
      %dma_wait3A_222 = tpu.memref_slice %arg8[%mul3A_2, %dma_wait3A_221] : memref<10240x16xf32, #tpu.memory_space<vmem_shared>> -> memref<640x16xf32, #tpu.memory_space<vmem_shared>>
      %dma_wait3A_223 = arith.constant 0 : i32
      %dma_wait3A_224 = tpu.memref_slice %arg4[%mul3A_2, %dma_wait3A_223] : memref<10240x16xf32, #tpu.memory_space<hbm>> -> memref<640x16xf32, #tpu.memory_space<hbm>>
      tpu.wait_dma2 semaphore(%run_scoped3A : memref<!tpu.dma_semaphore, #tpu.memory_space<semaphore_mem>>) src(%dma_wait3A_224 : memref<640x16xf32, #tpu.memory_space<hbm>>) dst(%dma_wait3A_222 : memref<640x16xf32, #tpu.memory_space<vmem_shared>>)
      tpu.yield
    }) : () -> ()
    %barrier3A = arith.constant 0 : index
    tpu.barrier barrier_id(%barrier3A)
    %dma_start3A = arith.constant 0 : i32
    %dma_start3A_3 = arith.constant 0 : i32
    %dma_start3A_4 = tpu.memref_slice %arg7[%dma_start3A, %dma_start3A_3] : memref<125x80xi32, #tpu.memory_space<vmem>> -> memref<1x80xi32, #tpu.memory_space<vmem>>
    %dma_start3A_5 = tpu.memref_squeeze %dma_start3A_4 : memref<1x80xi32, #tpu.memory_space<vmem>> -> memref<80xi32, #tpu.memory_space<vmem>>
    %dma_start3A_6 = arith.constant 0 : i32
    %dma_start3A_7 = arith.constant 0 : i32
    %dma_start3A_8 = tpu.memref_slice %arg8[%dma_start3A_6, %dma_start3A_7] : memref<10240x16xf32, #tpu.memory_space<vmem_shared>> -> memref<10240x16xf32, #tpu.memory_space<vmem_shared>>
    tpu.enqueue_indirect_dma source(%arg6 : memref<80x16xf32, #tpu.memory_space<vmem>>) target(%dma_start3A_8 : memref<10240x16xf32, #tpu.memory_space<vmem_shared>>) offsets(%dma_start3A_5 : memref<80xi32, #tpu.memory_space<vmem>>) semaphore(%arg9 : memref<!tpu.dma_semaphore, #tpu.memory_space<semaphore_mem>>) {add = true}
    %dma_start3A_9 = arith.constant 1 : i32
    %dma_start3A_10 = arith.constant 0 : i32
    %dma_start3A_11 = tpu.memref_slice %arg7[%dma_start3A_9, %dma_start3A_10] : memref<125x80xi32, #tpu.memory_space<vmem>> -> memref<1x80xi32, #tpu.memory_space<vmem>>
    %dma_start3A_12 = tpu.memref_squeeze %dma_start3A_11 : memref<1x80xi32, #tpu.memory_space<vmem>> -> memref<80xi32, #tpu.memory_space<vmem>>
    %dma_start3A_13 = arith.constant 0 : i32
    %dma_start3A_14 = arith.constant 0 : i32
    %dma_start3A_15 = tpu.memref_slice %arg8[%dma_start3A_13, %dma_start3A_14] : memref<10240x16xf32, #tpu.memory_space<vmem_shared>> -> memref<10240x16xf32, #tpu.memory_space<vmem_shared>>
    tpu.enqueue_indirect_dma source(%arg6 : memref<80x16xf32, #tpu.memory_space<vmem>>) target(%dma_start3A_15 : memref<10240x16xf32, #tpu.memory_space<vmem_shared>>) offsets(%dma_start3A_12 : memref<80xi32, #tpu.memory_space<vmem>>) semaphore(%arg9 : memref<!tpu.dma_semaphore, #tpu.memory_space<semaphore_mem>>) {add = true}
    %dma_start3A_16 = arith.constant 2 : i32
    %dma_start3A_17 = arith.constant 0 : i32
    %dma_start3A_18 = tpu.memref_slice %arg7[%dma_start3A_16, %dma_start3A_17] : memref<125x80xi32, #tpu.memory_space<vmem>> -> memref<1x80xi32, #tpu.memory_space<vmem>>
    %dma_start3A_19 = tpu.memref_squeeze %dma_start3A_18 : memref<1x80xi32, #tpu.memory_space<vmem>> -> memref<80xi32, #tpu.memory_space<vmem>>
    %dma_start3A_20 = arith.constant 0 : i32
    %dma_start3A_21 = arith.constant 0 : i32
    %dma_start3A_22 = tpu.memref_slice %arg8[%dma_start3A_20, %dma_start3A_21] : memref<10240x16xf32, #tpu.memory_space<vmem_shared>> -> memref<10240x16xf32, #tpu.memory_space<vmem_shared>>
    tpu.enqueue_indirect_dma source(%arg6 : memref<80x16xf32, #tpu.memory_space<vmem>>) target(%dma_start3A_22 : memref<10240x16xf32, #tpu.memory_space<vmem_shared>>) offsets(%dma_start3A_19 : memref<80xi32, #tpu.memory_space<vmem>>) semaphore(%arg9 : memref<!tpu.dma_semaphore, #tpu.memory_space<semaphore_mem>>) {add = true}
    %dma_start3A_23 = arith.constant 3 : i32
    %dma_start3A_24 = arith.constant 0 : i32
    %dma_start3A_25 = tpu.memref_slice %arg7[%dma_start3A_23, %dma_start3A_24] : memref<125x80xi32, #tpu.memory_space<vmem>> -> memref<1x80xi32, #tpu.memory_space<vmem>>
    %dma_start3A_26 = tpu.memref_squeeze %dma_start3A_25 : memref<1x80xi32, #tpu.memory_space<vmem>> -> memref<80xi32, #tpu.memory_space<vmem>>
    %dma_start3A_27 = arith.constant 0 : i32
    %dma_start3A_28 = arith.constant 0 : i32
    %dma_start3A_29 = tpu.memref_slice %arg8[%dma_start3A_27, %dma_start3A_28] : memref<10240x16xf32, #tpu.memory_space<vmem_shared>> -> memref<10240x16xf32, #tpu.memory_space<vmem_shared>>
    tpu.enqueue_indirect_dma source(%arg6 : memref<80x16xf32, #tpu.memory_space<vmem>>) target(%dma_start3A_29 : memref<10240x16xf32, #tpu.memory_space<vmem_shared>>) offsets(%dma_start3A_26 : memref<80xi32, #tpu.memory_space<vmem>>) semaphore(%arg9 : memref<!tpu.dma_semaphore, #tpu.memory_space<semaphore_mem>>) {add = true}
    %dma_start3A_30 = arith.constant 4 : i32
    %dma_start3A_31 = arith.constant 0 : i32
    %dma_start3A_32 = tpu.memref_slice %arg7[%dma_start3A_30, %dma_start3A_31] : memref<125x80xi32, #tpu.memory_space<vmem>> -> memref<1x80xi32, #tpu.memory_space<vmem>>
    %dma_start3A_33 = tpu.memref_squeeze %dma_start3A_32 : memref<1x80xi32, #tpu.memory_space<vmem>> -> memref<80xi32, #tpu.memory_space<vmem>>
    %dma_start3A_34 = arith.constant 0 : i32
    %dma_start3A_35 = arith.constant 0 : i32
    %dma_start3A_36 = tpu.memref_slice %arg8[%dma_start3A_34, %dma_start3A_35] : memref<10240x16xf32, #tpu.memory_space<vmem_shared>> -> memref<10240x16xf32, #tpu.memory_space<vmem_shared>>
    tpu.enqueue_indirect_dma source(%arg6 : memref<80x16xf32, #tpu.memory_space<vmem>>) target(%dma_start3A_36 : memref<10240x16xf32, #tpu.memory_space<vmem_shared>>) offsets(%dma_start3A_33 : memref<80xi32, #tpu.memory_space<vmem>>) semaphore(%arg9 : memref<!tpu.dma_semaphore, #tpu.memory_space<semaphore_mem>>) {add = true}
    %dma_start3A_37 = arith.constant 5 : i32
    %dma_start3A_38 = arith.constant 0 : i32
    %dma_start3A_39 = tpu.memref_slice %arg7[%dma_start3A_37, %dma_start3A_38] : memref<125x80xi32, #tpu.memory_space<vmem>> -> memref<1x80xi32, #tpu.memory_space<vmem>>
    %dma_start3A_40 = tpu.memref_squeeze %dma_start3A_39 : memref<1x80xi32, #tpu.memory_space<vmem>> -> memref<80xi32, #tpu.memory_space<vmem>>
    %dma_start3A_41 = arith.constant 0 : i32
    %dma_start3A_42 = arith.constant 0 : i32
    %dma_start3A_43 = tpu.memref_slice %arg8[%dma_start3A_41, %dma_start3A_42] : memref<10240x16xf32, #tpu.memory_space<vmem_shared>> -> memref<10240x16xf32, #tpu.memory_space<vmem_shared>>
    tpu.enqueue_indirect_dma source(%arg6 : memref<80x16xf32, #tpu.memory_space<vmem>>) target(%dma_start3A_43 : memref<10240x16xf32, #tpu.memory_space<vmem_shared>>) offsets(%dma_start3A_40 : memref<80xi32, #tpu.memory_space<vmem>>) semaphore(%arg10 : memref<!tpu.dma_semaphore, #tpu.memory_space<semaphore_mem>>) {add = true}
    %dma_start3A_44 = arith.constant 6 : i32
    %dma_start3A_45 = arith.constant 0 : i32
    %dma_start3A_46 = tpu.memref_slice %arg7[%dma_start3A_44, %dma_start3A_45] : memref<125x80xi32, #tpu.memory_space<vmem>> -> memref<1x80xi32, #tpu.memory_space<vmem>>
    %dma_start3A_47 = tpu.memref_squeeze %dma_start3A_46 : memref<1x80xi32, #tpu.memory_space<vmem>> -> memref<80xi32, #tpu.memory_space<vmem>>
    %dma_start3A_48 = arith.constant 0 : i32
    %dma_start3A_49 = arith.constant 0 : i32
    %dma_start3A_50 = tpu.memref_slice %arg8[%dma_start3A_48, %dma_start3A_49] : memref<10240x16xf32, #tpu.memory_space<vmem_shared>> -> memref<10240x16xf32, #tpu.memory_space<vmem_shared>>
    tpu.enqueue_indirect_dma source(%arg6 : memref<80x16xf32, #tpu.memory_space<vmem>>) target(%dma_start3A_50 : memref<10240x16xf32, #tpu.memory_space<vmem_shared>>) offsets(%dma_start3A_47 : memref<80xi32, #tpu.memory_space<vmem>>) semaphore(%arg10 : memref<!tpu.dma_semaphore, #tpu.memory_space<semaphore_mem>>) {add = true}
    %dma_start3A_51 = arith.constant 7 : i32
    %dma_start3A_52 = arith.constant 0 : i32
    %dma_start3A_53 = tpu.memref_slice %arg7[%dma_start3A_51, %dma_start3A_52] : memref<125x80xi32, #tpu.memory_space<vmem>> -> memref<1x80xi32, #tpu.memory_space<vmem>>
    %dma_start3A_54 = tpu.memref_squeeze %dma_start3A_53 : memref<1x80xi32, #tpu.memory_space<vmem>> -> memref<80xi32, #tpu.memory_space<vmem>>
    %dma_start3A_55 = arith.constant 0 : i32
    %dma_start3A_56 = arith.constant 0 : i32
    %dma_start3A_57 = tpu.memref_slice %arg8[%dma_start3A_55, %dma_start3A_56] : memref<10240x16xf32, #tpu.memory_space<vmem_shared>> -> memref<10240x16xf32, #tpu.memory_space<vmem_shared>>
    tpu.enqueue_indirect_dma source(%arg6 : memref<80x16xf32, #tpu.memory_space<vmem>>) target(%dma_start3A_57 : memref<10240x16xf32, #tpu.memory_space<vmem_shared>>) offsets(%dma_start3A_54 : memref<80xi32, #tpu.memory_space<vmem>>) semaphore(%arg10 : memref<!tpu.dma_semaphore, #tpu.memory_space<semaphore_mem>>) {add = true}
    %dma_start3A_58 = arith.constant 8 : i32
    %dma_start3A_59 = arith.constant 0 : i32
    %dma_start3A_60 = tpu.memref_slice %arg7[%dma_start3A_58, %dma_start3A_59] : memref<125x80xi32, #tpu.memory_space<vmem>> -> memref<1x80xi32, #tpu.memory_space<vmem>>
    %dma_start3A_61 = tpu.memref_squeeze %dma_start3A_60 : memref<1x80xi32, #tpu.memory_space<vmem>> -> memref<80xi32, #tpu.memory_space<vmem>>
    %dma_start3A_62 = arith.constant 0 : i32
    %dma_start3A_63 = arith.constant 0 : i32
    %dma_start3A_64 = tpu.memref_slice %arg8[%dma_start3A_62, %dma_start3A_63] : memref<10240x16xf32, #tpu.memory_space<vmem_shared>> -> memref<10240x16xf32, #tpu.memory_space<vmem_shared>>
    tpu.enqueue_indirect_dma source(%arg6 : memref<80x16xf32, #tpu.memory_space<vmem>>) target(%dma_start3A_64 : memref<10240x16xf32, #tpu.memory_space<vmem_shared>>) offsets(%dma_start3A_61 : memref<80xi32, #tpu.memory_space<vmem>>) semaphore(%arg10 : memref<!tpu.dma_semaphore, #tpu.memory_space<semaphore_mem>>) {add = true}
    %dma_start3A_65 = arith.constant 9 : i32
    %dma_start3A_66 = arith.constant 0 : i32
    %dma_start3A_67 = tpu.memref_slice %arg7[%dma_start3A_65, %dma_start3A_66] : memref<125x80xi32, #tpu.memory_space<vmem>> -> memref<1x80xi32, #tpu.memory_space<vmem>>
    %dma_start3A_68 = tpu.memref_squeeze %dma_start3A_67 : memref<1x80xi32, #tpu.memory_space<vmem>> -> memref<80xi32, #tpu.memory_space<vmem>>
    %dma_start3A_69 = arith.constant 0 : i32
    %dma_start3A_70 = arith.constant 0 : i32
    %dma_start3A_71 = tpu.memref_slice %arg8[%dma_start3A_69, %dma_start3A_70] : memref<10240x16xf32, #tpu.memory_space<vmem_shared>> -> memref<10240x16xf32, #tpu.memory_space<vmem_shared>>
    tpu.enqueue_indirect_dma source(%arg6 : memref<80x16xf32, #tpu.memory_space<vmem>>) target(%dma_start3A_71 : memref<10240x16xf32, #tpu.memory_space<vmem_shared>>) offsets(%dma_start3A_68 : memref<80xi32, #tpu.memory_space<vmem>>) semaphore(%arg10 : memref<!tpu.dma_semaphore, #tpu.memory_space<semaphore_mem>>) {add = true}
    %dma_wait3A = arith.constant 0 : i32
    %dma_wait3A_72 = arith.constant 0 : i32
    %dma_wait3A_73 = tpu.memref_slice %arg7[%dma_wait3A, %dma_wait3A_72] : memref<125x80xi32, #tpu.memory_space<vmem>> -> memref<1x80xi32, #tpu.memory_space<vmem>>
    %dma_wait3A_74 = tpu.memref_squeeze %dma_wait3A_73 : memref<1x80xi32, #tpu.memory_space<vmem>> -> memref<80xi32, #tpu.memory_space<vmem>>
    %dma_wait3A_75 = arith.constant 0 : i32
    %dma_wait3A_76 = arith.constant 0 : i32
    %dma_wait3A_77 = tpu.memref_slice %arg8[%dma_wait3A_75, %dma_wait3A_76] : memref<10240x16xf32, #tpu.memory_space<vmem_shared>> -> memref<10240x16xf32, #tpu.memory_space<vmem_shared>>
    tpu.wait_indirect_dma semaphore(%arg9 : memref<!tpu.dma_semaphore, #tpu.memory_space<semaphore_mem>>) src(%arg6 : memref<80x16xf32, #tpu.memory_space<vmem>>) dst(%dma_wait3A_77 : memref<10240x16xf32, #tpu.memory_space<vmem_shared>>)
    %dma_wait3A_78 = arith.constant 0 : i32
    %dma_wait3A_79 = arith.constant 0 : i32
    %dma_wait3A_80 = tpu.memref_slice %arg7[%dma_wait3A_78, %dma_wait3A_79] : memref<125x80xi32, #tpu.memory_space<vmem>> -> memref<1x80xi32, #tpu.memory_space<vmem>>
    %dma_wait3A_81 = tpu.memref_squeeze %dma_wait3A_80 : memref<1x80xi32, #tpu.memory_space<vmem>> -> memref<80xi32, #tpu.memory_space<vmem>>
    %dma_wait3A_82 = arith.constant 0 : i32
    %dma_wait3A_83 = arith.constant 0 : i32
    %dma_wait3A_84 = tpu.memref_slice %arg8[%dma_wait3A_82, %dma_wait3A_83] : memref<10240x16xf32, #tpu.memory_space<vmem_shared>> -> memref<10240x16xf32, #tpu.memory_space<vmem_shared>>
    tpu.wait_indirect_dma semaphore(%arg9 : memref<!tpu.dma_semaphore, #tpu.memory_space<semaphore_mem>>) src(%arg6 : memref<80x16xf32, #tpu.memory_space<vmem>>) dst(%dma_wait3A_84 : memref<10240x16xf32, #tpu.memory_space<vmem_shared>>)
    %dma_wait3A_85 = arith.constant 0 : i32
    %dma_wait3A_86 = arith.constant 0 : i32
    %dma_wait3A_87 = tpu.memref_slice %arg7[%dma_wait3A_85, %dma_wait3A_86] : memref<125x80xi32, #tpu.memory_space<vmem>> -> memref<1x80xi32, #tpu.memory_space<vmem>>
    %dma_wait3A_88 = tpu.memref_squeeze %dma_wait3A_87 : memref<1x80xi32, #tpu.memory_space<vmem>> -> memref<80xi32, #tpu.memory_space<vmem>>
    %dma_wait3A_89 = arith.constant 0 : i32
    %dma_wait3A_90 = arith.constant 0 : i32
    %dma_wait3A_91 = tpu.memref_slice %arg8[%dma_wait3A_89, %dma_wait3A_90] : memref<10240x16xf32, #tpu.memory_space<vmem_shared>> -> memref<10240x16xf32, #tpu.memory_space<vmem_shared>>
    tpu.wait_indirect_dma semaphore(%arg9 : memref<!tpu.dma_semaphore, #tpu.memory_space<semaphore_mem>>) src(%arg6 : memref<80x16xf32, #tpu.memory_space<vmem>>) dst(%dma_wait3A_91 : memref<10240x16xf32, #tpu.memory_space<vmem_shared>>)
    %dma_wait3A_92 = arith.constant 0 : i32
    %dma_wait3A_93 = arith.constant 0 : i32
    %dma_wait3A_94 = tpu.memref_slice %arg7[%dma_wait3A_92, %dma_wait3A_93] : memref<125x80xi32, #tpu.memory_space<vmem>> -> memref<1x80xi32, #tpu.memory_space<vmem>>
    %dma_wait3A_95 = tpu.memref_squeeze %dma_wait3A_94 : memref<1x80xi32, #tpu.memory_space<vmem>> -> memref<80xi32, #tpu.memory_space<vmem>>
    %dma_wait3A_96 = arith.constant 0 : i32
    %dma_wait3A_97 = arith.constant 0 : i32
    %dma_wait3A_98 = tpu.memref_slice %arg8[%dma_wait3A_96, %dma_wait3A_97] : memref<10240x16xf32, #tpu.memory_space<vmem_shared>> -> memref<10240x16xf32, #tpu.memory_space<vmem_shared>>
    tpu.wait_indirect_dma semaphore(%arg9 : memref<!tpu.dma_semaphore, #tpu.memory_space<semaphore_mem>>) src(%arg6 : memref<80x16xf32, #tpu.memory_space<vmem>>) dst(%dma_wait3A_98 : memref<10240x16xf32, #tpu.memory_space<vmem_shared>>)
    %dma_wait3A_99 = arith.constant 0 : i32
    %dma_wait3A_100 = arith.constant 0 : i32
    %dma_wait3A_101 = tpu.memref_slice %arg7[%dma_wait3A_99, %dma_wait3A_100] : memref<125x80xi32, #tpu.memory_space<vmem>> -> memref<1x80xi32, #tpu.memory_space<vmem>>
    %dma_wait3A_102 = tpu.memref_squeeze %dma_wait3A_101 : memref<1x80xi32, #tpu.memory_space<vmem>> -> memref<80xi32, #tpu.memory_space<vmem>>
    %dma_wait3A_103 = arith.constant 0 : i32
    %dma_wait3A_104 = arith.constant 0 : i32
    %dma_wait3A_105 = tpu.memref_slice %arg8[%dma_wait3A_103, %dma_wait3A_104] : memref<10240x16xf32, #tpu.memory_space<vmem_shared>> -> memref<10240x16xf32, #tpu.memory_space<vmem_shared>>
    tpu.wait_indirect_dma semaphore(%arg9 : memref<!tpu.dma_semaphore, #tpu.memory_space<semaphore_mem>>) src(%arg6 : memref<80x16xf32, #tpu.memory_space<vmem>>) dst(%dma_wait3A_105 : memref<10240x16xf32, #tpu.memory_space<vmem_shared>>)
    %scan3A = arith.constant 0 : i32
    %scan3A_106 = arith.constant 0 : i32
    %scan3A_107 = arith.constant 11 : i32
    %scan3A_108 = arith.addi %scan3A_106, %scan3A_107 : i32
    %scan3A_109 = arith.constant 1 : i32
    scf.for %scan3A_217 = %scan3A_106 to %scan3A_108 step %scan3A_109  : i32 {
      %mul3A_218 = arith.constant 2 : i32
      %mul3A_219 = arith.muli %mul3A_218, %scan3A_217 : i32
      %add3A_220 = arith.constant 2 : i32
      %add3A_221 = arith.addi %mul3A_219, %add3A_220 : i32
      %mul3A_222 = arith.constant 5 : i32
      %mul3A_223 = arith.muli %add3A_221, %mul3A_222 : i32
      %add3A_224 = arith.constant 0 : i32
      %add3A_225 = arith.addi %mul3A_223, %add3A_224 : i32
      %dma_start3A_226 = arith.constant 0 : i32
      %dma_start3A_227 = tpu.memref_slice %arg7[%add3A_225, %dma_start3A_226] : memref<125x80xi32, #tpu.memory_space<vmem>> -> memref<1x80xi32, #tpu.memory_space<vmem>>
      %dma_start3A_228 = tpu.memref_squeeze %dma_start3A_227 : memref<1x80xi32, #tpu.memory_space<vmem>> -> memref<80xi32, #tpu.memory_space<vmem>>
      %dma_start3A_229 = arith.constant 0 : i32
      %dma_start3A_230 = arith.constant 0 : i32
      %dma_start3A_231 = tpu.memref_slice %arg8[%dma_start3A_229, %dma_start3A_230] : memref<10240x16xf32, #tpu.memory_space<vmem_shared>> -> memref<10240x16xf32, #tpu.memory_space<vmem_shared>>
      tpu.enqueue_indirect_dma source(%arg6 : memref<80x16xf32, #tpu.memory_space<vmem>>) target(%dma_start3A_231 : memref<10240x16xf32, #tpu.memory_space<vmem_shared>>) offsets(%dma_start3A_228 : memref<80xi32, #tpu.memory_space<vmem>>) semaphore(%arg9 : memref<!tpu.dma_semaphore, #tpu.memory_space<semaphore_mem>>) {add = true}
      %mul3A_232 = arith.constant 5 : i32
      %mul3A_233 = arith.muli %add3A_221, %mul3A_232 : i32
      %add3A_234 = arith.constant 1 : i32
      %add3A_235 = arith.addi %mul3A_233, %add3A_234 : i32
      %dma_start3A_236 = arith.constant 0 : i32
      %dma_start3A_237 = tpu.memref_slice %arg7[%add3A_235, %dma_start3A_236] : memref<125x80xi32, #tpu.memory_space<vmem>> -> memref<1x80xi32, #tpu.memory_space<vmem>>
      %dma_start3A_238 = tpu.memref_squeeze %dma_start3A_237 : memref<1x80xi32, #tpu.memory_space<vmem>> -> memref<80xi32, #tpu.memory_space<vmem>>
      %dma_start3A_239 = arith.constant 0 : i32
      %dma_start3A_240 = arith.constant 0 : i32
      %dma_start3A_241 = tpu.memref_slice %arg8[%dma_start3A_239, %dma_start3A_240] : memref<10240x16xf32, #tpu.memory_space<vmem_shared>> -> memref<10240x16xf32, #tpu.memory_space<vmem_shared>>
      tpu.enqueue_indirect_dma source(%arg6 : memref<80x16xf32, #tpu.memory_space<vmem>>) target(%dma_start3A_241 : memref<10240x16xf32, #tpu.memory_space<vmem_shared>>) offsets(%dma_start3A_238 : memref<80xi32, #tpu.memory_space<vmem>>) semaphore(%arg9 : memref<!tpu.dma_semaphore, #tpu.memory_space<semaphore_mem>>) {add = true}
      %mul3A_242 = arith.constant 5 : i32
      %mul3A_243 = arith.muli %add3A_221, %mul3A_242 : i32
      %add3A_244 = arith.constant 2 : i32
      %add3A_245 = arith.addi %mul3A_243, %add3A_244 : i32
      %dma_start3A_246 = arith.constant 0 : i32
      %dma_start3A_247 = tpu.memref_slice %arg7[%add3A_245, %dma_start3A_246] : memref<125x80xi32, #tpu.memory_space<vmem>> -> memref<1x80xi32, #tpu.memory_space<vmem>>
      %dma_start3A_248 = tpu.memref_squeeze %dma_start3A_247 : memref<1x80xi32, #tpu.memory_space<vmem>> -> memref<80xi32, #tpu.memory_space<vmem>>
      %dma_start3A_249 = arith.constant 0 : i32
      %dma_start3A_250 = arith.constant 0 : i32
      %dma_start3A_251 = tpu.memref_slice %arg8[%dma_start3A_249, %dma_start3A_250] : memref<10240x16xf32, #tpu.memory_space<vmem_shared>> -> memref<10240x16xf32, #tpu.memory_space<vmem_shared>>
      tpu.enqueue_indirect_dma source(%arg6 : memref<80x16xf32, #tpu.memory_space<vmem>>) target(%dma_start3A_251 : memref<10240x16xf32, #tpu.memory_space<vmem_shared>>) offsets(%dma_start3A_248 : memref<80xi32, #tpu.memory_space<vmem>>) semaphore(%arg9 : memref<!tpu.dma_semaphore, #tpu.memory_space<semaphore_mem>>) {add = true}
      %mul3A_252 = arith.constant 5 : i32
      %mul3A_253 = arith.muli %add3A_221, %mul3A_252 : i32
      %add3A_254 = arith.constant 3 : i32
      %add3A_255 = arith.addi %mul3A_253, %add3A_254 : i32
      %dma_start3A_256 = arith.constant 0 : i32
      %dma_start3A_257 = tpu.memref_slice %arg7[%add3A_255, %dma_start3A_256] : memref<125x80xi32, #tpu.memory_space<vmem>> -> memref<1x80xi32, #tpu.memory_space<vmem>>
      %dma_start3A_258 = tpu.memref_squeeze %dma_start3A_257 : memref<1x80xi32, #tpu.memory_space<vmem>> -> memref<80xi32, #tpu.memory_space<vmem>>
      %dma_start3A_259 = arith.constant 0 : i32
      %dma_start3A_260 = arith.constant 0 : i32
      %dma_start3A_261 = tpu.memref_slice %arg8[%dma_start3A_259, %dma_start3A_260] : memref<10240x16xf32, #tpu.memory_space<vmem_shared>> -> memref<10240x16xf32, #tpu.memory_space<vmem_shared>>
      tpu.enqueue_indirect_dma source(%arg6 : memref<80x16xf32, #tpu.memory_space<vmem>>) target(%dma_start3A_261 : memref<10240x16xf32, #tpu.memory_space<vmem_shared>>) offsets(%dma_start3A_258 : memref<80xi32, #tpu.memory_space<vmem>>) semaphore(%arg9 : memref<!tpu.dma_semaphore, #tpu.memory_space<semaphore_mem>>) {add = true}
      %mul3A_262 = arith.constant 5 : i32
      %mul3A_263 = arith.muli %add3A_221, %mul3A_262 : i32
      %add3A_264 = arith.constant 4 : i32
      %add3A_265 = arith.addi %mul3A_263, %add3A_264 : i32
      %dma_start3A_266 = arith.constant 0 : i32
      %dma_start3A_267 = tpu.memref_slice %arg7[%add3A_265, %dma_start3A_266] : memref<125x80xi32, #tpu.memory_space<vmem>> -> memref<1x80xi32, #tpu.memory_space<vmem>>
      %dma_start3A_268 = tpu.memref_squeeze %dma_start3A_267 : memref<1x80xi32, #tpu.memory_space<vmem>> -> memref<80xi32, #tpu.memory_space<vmem>>
      %dma_start3A_269 = arith.constant 0 : i32
      %dma_start3A_270 = arith.constant 0 : i32
      %dma_start3A_271 = tpu.memref_slice %arg8[%dma_start3A_269, %dma_start3A_270] : memref<10240x16xf32, #tpu.memory_space<vmem_shared>> -> memref<10240x16xf32, #tpu.memory_space<vmem_shared>>
      tpu.enqueue_indirect_dma source(%arg6 : memref<80x16xf32, #tpu.memory_space<vmem>>) target(%dma_start3A_271 : memref<10240x16xf32, #tpu.memory_space<vmem_shared>>) offsets(%dma_start3A_268 : memref<80xi32, #tpu.memory_space<vmem>>) semaphore(%arg9 : memref<!tpu.dma_semaphore, #tpu.memory_space<semaphore_mem>>) {add = true}
      %dma_wait3A_272 = arith.constant 0 : i32
      %dma_wait3A_273 = arith.constant 0 : i32
      %dma_wait3A_274 = tpu.memref_slice %arg7[%dma_wait3A_272, %dma_wait3A_273] : memref<125x80xi32, #tpu.memory_space<vmem>> -> memref<1x80xi32, #tpu.memory_space<vmem>>
      %dma_wait3A_275 = tpu.memref_squeeze %dma_wait3A_274 : memref<1x80xi32, #tpu.memory_space<vmem>> -> memref<80xi32, #tpu.memory_space<vmem>>
      %dma_wait3A_276 = arith.constant 0 : i32
      %dma_wait3A_277 = arith.constant 0 : i32
      %dma_wait3A_278 = tpu.memref_slice %arg8[%dma_wait3A_276, %dma_wait3A_277] : memref<10240x16xf32, #tpu.memory_space<vmem_shared>> -> memref<10240x16xf32, #tpu.memory_space<vmem_shared>>
      tpu.wait_indirect_dma semaphore(%arg10 : memref<!tpu.dma_semaphore, #tpu.memory_space<semaphore_mem>>) src(%arg6 : memref<80x16xf32, #tpu.memory_space<vmem>>) dst(%dma_wait3A_278 : memref<10240x16xf32, #tpu.memory_space<vmem_shared>>)
      %dma_wait3A_279 = arith.constant 0 : i32
      %dma_wait3A_280 = arith.constant 0 : i32
      %dma_wait3A_281 = tpu.memref_slice %arg7[%dma_wait3A_279, %dma_wait3A_280] : memref<125x80xi32, #tpu.memory_space<vmem>> -> memref<1x80xi32, #tpu.memory_space<vmem>>
      %dma_wait3A_282 = tpu.memref_squeeze %dma_wait3A_281 : memref<1x80xi32, #tpu.memory_space<vmem>> -> memref<80xi32, #tpu.memory_space<vmem>>
      %dma_wait3A_283 = arith.constant 0 : i32
      %dma_wait3A_284 = arith.constant 0 : i32
      %dma_wait3A_285 = tpu.memref_slice %arg8[%dma_wait3A_283, %dma_wait3A_284] : memref<10240x16xf32, #tpu.memory_space<vmem_shared>> -> memref<10240x16xf32, #tpu.memory_space<vmem_shared>>
      tpu.wait_indirect_dma semaphore(%arg10 : memref<!tpu.dma_semaphore, #tpu.memory_space<semaphore_mem>>) src(%arg6 : memref<80x16xf32, #tpu.memory_space<vmem>>) dst(%dma_wait3A_285 : memref<10240x16xf32, #tpu.memory_space<vmem_shared>>)
      %dma_wait3A_286 = arith.constant 0 : i32
      %dma_wait3A_287 = arith.constant 0 : i32
      %dma_wait3A_288 = tpu.memref_slice %arg7[%dma_wait3A_286, %dma_wait3A_287] : memref<125x80xi32, #tpu.memory_space<vmem>> -> memref<1x80xi32, #tpu.memory_space<vmem>>
      %dma_wait3A_289 = tpu.memref_squeeze %dma_wait3A_288 : memref<1x80xi32, #tpu.memory_space<vmem>> -> memref<80xi32, #tpu.memory_space<vmem>>
      %dma_wait3A_290 = arith.constant 0 : i32
      %dma_wait3A_291 = arith.constant 0 : i32
      %dma_wait3A_292 = tpu.memref_slice %arg8[%dma_wait3A_290, %dma_wait3A_291] : memref<10240x16xf32, #tpu.memory_space<vmem_shared>> -> memref<10240x16xf32, #tpu.memory_space<vmem_shared>>
      tpu.wait_indirect_dma semaphore(%arg10 : memref<!tpu.dma_semaphore, #tpu.memory_space<semaphore_mem>>) src(%arg6 : memref<80x16xf32, #tpu.memory_space<vmem>>) dst(%dma_wait3A_292 : memref<10240x16xf32, #tpu.memory_space<vmem_shared>>)
      %dma_wait3A_293 = arith.constant 0 : i32
      %dma_wait3A_294 = arith.constant 0 : i32
      %dma_wait3A_295 = tpu.memref_slice %arg7[%dma_wait3A_293, %dma_wait3A_294] : memref<125x80xi32, #tpu.memory_space<vmem>> -> memref<1x80xi32, #tpu.memory_space<vmem>>
      %dma_wait3A_296 = tpu.memref_squeeze %dma_wait3A_295 : memref<1x80xi32, #tpu.memory_space<vmem>> -> memref<80xi32, #tpu.memory_space<vmem>>
      %dma_wait3A_297 = arith.constant 0 : i32
      %dma_wait3A_298 = arith.constant 0 : i32
      %dma_wait3A_299 = tpu.memref_slice %arg8[%dma_wait3A_297, %dma_wait3A_298] : memref<10240x16xf32, #tpu.memory_space<vmem_shared>> -> memref<10240x16xf32, #tpu.memory_space<vmem_shared>>
      tpu.wait_indirect_dma semaphore(%arg10 : memref<!tpu.dma_semaphore, #tpu.memory_space<semaphore_mem>>) src(%arg6 : memref<80x16xf32, #tpu.memory_space<vmem>>) dst(%dma_wait3A_299 : memref<10240x16xf32, #tpu.memory_space<vmem_shared>>)
      %dma_wait3A_300 = arith.constant 0 : i32
      %dma_wait3A_301 = arith.constant 0 : i32
      %dma_wait3A_302 = tpu.memref_slice %arg7[%dma_wait3A_300, %dma_wait3A_301] : memref<125x80xi32, #tpu.memory_space<vmem>> -> memref<1x80xi32, #tpu.memory_space<vmem>>
      %dma_wait3A_303 = tpu.memref_squeeze %dma_wait3A_302 : memref<1x80xi32, #tpu.memory_space<vmem>> -> memref<80xi32, #tpu.memory_space<vmem>>
      %dma_wait3A_304 = arith.constant 0 : i32
      %dma_wait3A_305 = arith.constant 0 : i32
      %dma_wait3A_306 = tpu.memref_slice %arg8[%dma_wait3A_304, %dma_wait3A_305] : memref<10240x16xf32, #tpu.memory_space<vmem_shared>> -> memref<10240x16xf32, #tpu.memory_space<vmem_shared>>
      tpu.wait_indirect_dma semaphore(%arg10 : memref<!tpu.dma_semaphore, #tpu.memory_space<semaphore_mem>>) src(%arg6 : memref<80x16xf32, #tpu.memory_space<vmem>>) dst(%dma_wait3A_306 : memref<10240x16xf32, #tpu.memory_space<vmem_shared>>)
      %mul3A_307 = arith.constant 2 : i32
      %mul3A_308 = arith.muli %mul3A_307, %scan3A_217 : i32
      %add3A_309 = arith.constant 3 : i32
      %add3A_310 = arith.addi %mul3A_308, %add3A_309 : i32
      %mul3A_311 = arith.constant 5 : i32
      %mul3A_312 = arith.muli %add3A_310, %mul3A_311 : i32
      %add3A_313 = arith.constant 0 : i32
      %add3A_314 = arith.addi %mul3A_312, %add3A_313 : i32
      %dma_start3A_315 = arith.constant 0 : i32
      %dma_start3A_316 = tpu.memref_slice %arg7[%add3A_314, %dma_start3A_315] : memref<125x80xi32, #tpu.memory_space<vmem>> -> memref<1x80xi32, #tpu.memory_space<vmem>>
      %dma_start3A_317 = tpu.memref_squeeze %dma_start3A_316 : memref<1x80xi32, #tpu.memory_space<vmem>> -> memref<80xi32, #tpu.memory_space<vmem>>
      %dma_start3A_318 = arith.constant 0 : i32
      %dma_start3A_319 = arith.constant 0 : i32
      %dma_start3A_320 = tpu.memref_slice %arg8[%dma_start3A_318, %dma_start3A_319] : memref<10240x16xf32, #tpu.memory_space<vmem_shared>> -> memref<10240x16xf32, #tpu.memory_space<vmem_shared>>
      tpu.enqueue_indirect_dma source(%arg6 : memref<80x16xf32, #tpu.memory_space<vmem>>) target(%dma_start3A_320 : memref<10240x16xf32, #tpu.memory_space<vmem_shared>>) offsets(%dma_start3A_317 : memref<80xi32, #tpu.memory_space<vmem>>) semaphore(%arg10 : memref<!tpu.dma_semaphore, #tpu.memory_space<semaphore_mem>>) {add = true}
      %mul3A_321 = arith.constant 5 : i32
      %mul3A_322 = arith.muli %add3A_310, %mul3A_321 : i32
      %add3A_323 = arith.constant 1 : i32
      %add3A_324 = arith.addi %mul3A_322, %add3A_323 : i32
      %dma_start3A_325 = arith.constant 0 : i32
      %dma_start3A_326 = tpu.memref_slice %arg7[%add3A_324, %dma_start3A_325] : memref<125x80xi32, #tpu.memory_space<vmem>> -> memref<1x80xi32, #tpu.memory_space<vmem>>
      %dma_start3A_327 = tpu.memref_squeeze %dma_start3A_326 : memref<1x80xi32, #tpu.memory_space<vmem>> -> memref<80xi32, #tpu.memory_space<vmem>>
      %dma_start3A_328 = arith.constant 0 : i32
      %dma_start3A_329 = arith.constant 0 : i32
      %dma_start3A_330 = tpu.memref_slice %arg8[%dma_start3A_328, %dma_start3A_329] : memref<10240x16xf32, #tpu.memory_space<vmem_shared>> -> memref<10240x16xf32, #tpu.memory_space<vmem_shared>>
      tpu.enqueue_indirect_dma source(%arg6 : memref<80x16xf32, #tpu.memory_space<vmem>>) target(%dma_start3A_330 : memref<10240x16xf32, #tpu.memory_space<vmem_shared>>) offsets(%dma_start3A_327 : memref<80xi32, #tpu.memory_space<vmem>>) semaphore(%arg10 : memref<!tpu.dma_semaphore, #tpu.memory_space<semaphore_mem>>) {add = true}
      %mul3A_331 = arith.constant 5 : i32
      %mul3A_332 = arith.muli %add3A_310, %mul3A_331 : i32
      %add3A_333 = arith.constant 2 : i32
      %add3A_334 = arith.addi %mul3A_332, %add3A_333 : i32
      %dma_start3A_335 = arith.constant 0 : i32
      %dma_start3A_336 = tpu.memref_slice %arg7[%add3A_334, %dma_start3A_335] : memref<125x80xi32, #tpu.memory_space<vmem>> -> memref<1x80xi32, #tpu.memory_space<vmem>>
      %dma_start3A_337 = tpu.memref_squeeze %dma_start3A_336 : memref<1x80xi32, #tpu.memory_space<vmem>> -> memref<80xi32, #tpu.memory_space<vmem>>
      %dma_start3A_338 = arith.constant 0 : i32
      %dma_start3A_339 = arith.constant 0 : i32
      %dma_start3A_340 = tpu.memref_slice %arg8[%dma_start3A_338, %dma_start3A_339] : memref<10240x16xf32, #tpu.memory_space<vmem_shared>> -> memref<10240x16xf32, #tpu.memory_space<vmem_shared>>
      tpu.enqueue_indirect_dma source(%arg6 : memref<80x16xf32, #tpu.memory_space<vmem>>) target(%dma_start3A_340 : memref<10240x16xf32, #tpu.memory_space<vmem_shared>>) offsets(%dma_start3A_337 : memref<80xi32, #tpu.memory_space<vmem>>) semaphore(%arg10 : memref<!tpu.dma_semaphore, #tpu.memory_space<semaphore_mem>>) {add = true}
      %mul3A_341 = arith.constant 5 : i32
      %mul3A_342 = arith.muli %add3A_310, %mul3A_341 : i32
      %add3A_343 = arith.constant 3 : i32
      %add3A_344 = arith.addi %mul3A_342, %add3A_343 : i32
      %dma_start3A_345 = arith.constant 0 : i32
      %dma_start3A_346 = tpu.memref_slice %arg7[%add3A_344, %dma_start3A_345] : memref<125x80xi32, #tpu.memory_space<vmem>> -> memref<1x80xi32, #tpu.memory_space<vmem>>
      %dma_start3A_347 = tpu.memref_squeeze %dma_start3A_346 : memref<1x80xi32, #tpu.memory_space<vmem>> -> memref<80xi32, #tpu.memory_space<vmem>>
      %dma_start3A_348 = arith.constant 0 : i32
      %dma_start3A_349 = arith.constant 0 : i32
      %dma_start3A_350 = tpu.memref_slice %arg8[%dma_start3A_348, %dma_start3A_349] : memref<10240x16xf32, #tpu.memory_space<vmem_shared>> -> memref<10240x16xf32, #tpu.memory_space<vmem_shared>>
      tpu.enqueue_indirect_dma source(%arg6 : memref<80x16xf32, #tpu.memory_space<vmem>>) target(%dma_start3A_350 : memref<10240x16xf32, #tpu.memory_space<vmem_shared>>) offsets(%dma_start3A_347 : memref<80xi32, #tpu.memory_space<vmem>>) semaphore(%arg10 : memref<!tpu.dma_semaphore, #tpu.memory_space<semaphore_mem>>) {add = true}
      %mul3A_351 = arith.constant 5 : i32
      %mul3A_352 = arith.muli %add3A_310, %mul3A_351 : i32
      %add3A_353 = arith.constant 4 : i32
      %add3A_354 = arith.addi %mul3A_352, %add3A_353 : i32
      %dma_start3A_355 = arith.constant 0 : i32
      %dma_start3A_356 = tpu.memref_slice %arg7[%add3A_354, %dma_start3A_355] : memref<125x80xi32, #tpu.memory_space<vmem>> -> memref<1x80xi32, #tpu.memory_space<vmem>>
      %dma_start3A_357 = tpu.memref_squeeze %dma_start3A_356 : memref<1x80xi32, #tpu.memory_space<vmem>> -> memref<80xi32, #tpu.memory_space<vmem>>
      %dma_start3A_358 = arith.constant 0 : i32
      %dma_start3A_359 = arith.constant 0 : i32
      %dma_start3A_360 = tpu.memref_slice %arg8[%dma_start3A_358, %dma_start3A_359] : memref<10240x16xf32, #tpu.memory_space<vmem_shared>> -> memref<10240x16xf32, #tpu.memory_space<vmem_shared>>
      tpu.enqueue_indirect_dma source(%arg6 : memref<80x16xf32, #tpu.memory_space<vmem>>) target(%dma_start3A_360 : memref<10240x16xf32, #tpu.memory_space<vmem_shared>>) offsets(%dma_start3A_357 : memref<80xi32, #tpu.memory_space<vmem>>) semaphore(%arg10 : memref<!tpu.dma_semaphore, #tpu.memory_space<semaphore_mem>>) {add = true}
      %dma_wait3A_361 = arith.constant 0 : i32
      %dma_wait3A_362 = arith.constant 0 : i32
      %dma_wait3A_363 = tpu.memref_slice %arg7[%dma_wait3A_361, %dma_wait3A_362] : memref<125x80xi32, #tpu.memory_space<vmem>> -> memref<1x80xi32, #tpu.memory_space<vmem>>
      %dma_wait3A_364 = tpu.memref_squeeze %dma_wait3A_363 : memref<1x80xi32, #tpu.memory_space<vmem>> -> memref<80xi32, #tpu.memory_space<vmem>>
      %dma_wait3A_365 = arith.constant 0 : i32
      %dma_wait3A_366 = arith.constant 0 : i32
      %dma_wait3A_367 = tpu.memref_slice %arg8[%dma_wait3A_365, %dma_wait3A_366] : memref<10240x16xf32, #tpu.memory_space<vmem_shared>> -> memref<10240x16xf32, #tpu.memory_space<vmem_shared>>
      tpu.wait_indirect_dma semaphore(%arg9 : memref<!tpu.dma_semaphore, #tpu.memory_space<semaphore_mem>>) src(%arg6 : memref<80x16xf32, #tpu.memory_space<vmem>>) dst(%dma_wait3A_367 : memref<10240x16xf32, #tpu.memory_space<vmem_shared>>)
      %dma_wait3A_368 = arith.constant 0 : i32
      %dma_wait3A_369 = arith.constant 0 : i32
      %dma_wait3A_370 = tpu.memref_slice %arg7[%dma_wait3A_368, %dma_wait3A_369] : memref<125x80xi32, #tpu.memory_space<vmem>> -> memref<1x80xi32, #tpu.memory_space<vmem>>
      %dma_wait3A_371 = tpu.memref_squeeze %dma_wait3A_370 : memref<1x80xi32, #tpu.memory_space<vmem>> -> memref<80xi32, #tpu.memory_space<vmem>>
      %dma_wait3A_372 = arith.constant 0 : i32
      %dma_wait3A_373 = arith.constant 0 : i32
      %dma_wait3A_374 = tpu.memref_slice %arg8[%dma_wait3A_372, %dma_wait3A_373] : memref<10240x16xf32, #tpu.memory_space<vmem_shared>> -> memref<10240x16xf32, #tpu.memory_space<vmem_shared>>
      tpu.wait_indirect_dma semaphore(%arg9 : memref<!tpu.dma_semaphore, #tpu.memory_space<semaphore_mem>>) src(%arg6 : memref<80x16xf32, #tpu.memory_space<vmem>>) dst(%dma_wait3A_374 : memref<10240x16xf32, #tpu.memory_space<vmem_shared>>)
      %dma_wait3A_375 = arith.constant 0 : i32
      %dma_wait3A_376 = arith.constant 0 : i32
      %dma_wait3A_377 = tpu.memref_slice %arg7[%dma_wait3A_375, %dma_wait3A_376] : memref<125x80xi32, #tpu.memory_space<vmem>> -> memref<1x80xi32, #tpu.memory_space<vmem>>
      %dma_wait3A_378 = tpu.memref_squeeze %dma_wait3A_377 : memref<1x80xi32, #tpu.memory_space<vmem>> -> memref<80xi32, #tpu.memory_space<vmem>>
      %dma_wait3A_379 = arith.constant 0 : i32
      %dma_wait3A_380 = arith.constant 0 : i32
      %dma_wait3A_381 = tpu.memref_slice %arg8[%dma_wait3A_379, %dma_wait3A_380] : memref<10240x16xf32, #tpu.memory_space<vmem_shared>> -> memref<10240x16xf32, #tpu.memory_space<vmem_shared>>
      tpu.wait_indirect_dma semaphore(%arg9 : memref<!tpu.dma_semaphore, #tpu.memory_space<semaphore_mem>>) src(%arg6 : memref<80x16xf32, #tpu.memory_space<vmem>>) dst(%dma_wait3A_381 : memref<10240x16xf32, #tpu.memory_space<vmem_shared>>)
      %dma_wait3A_382 = arith.constant 0 : i32
      %dma_wait3A_383 = arith.constant 0 : i32
      %dma_wait3A_384 = tpu.memref_slice %arg7[%dma_wait3A_382, %dma_wait3A_383] : memref<125x80xi32, #tpu.memory_space<vmem>> -> memref<1x80xi32, #tpu.memory_space<vmem>>
      %dma_wait3A_385 = tpu.memref_squeeze %dma_wait3A_384 : memref<1x80xi32, #tpu.memory_space<vmem>> -> memref<80xi32, #tpu.memory_space<vmem>>
      %dma_wait3A_386 = arith.constant 0 : i32
      %dma_wait3A_387 = arith.constant 0 : i32
      %dma_wait3A_388 = tpu.memref_slice %arg8[%dma_wait3A_386, %dma_wait3A_387] : memref<10240x16xf32, #tpu.memory_space<vmem_shared>> -> memref<10240x16xf32, #tpu.memory_space<vmem_shared>>
      tpu.wait_indirect_dma semaphore(%arg9 : memref<!tpu.dma_semaphore, #tpu.memory_space<semaphore_mem>>) src(%arg6 : memref<80x16xf32, #tpu.memory_space<vmem>>) dst(%dma_wait3A_388 : memref<10240x16xf32, #tpu.memory_space<vmem_shared>>)
      %dma_wait3A_389 = arith.constant 0 : i32
      %dma_wait3A_390 = arith.constant 0 : i32
      %dma_wait3A_391 = tpu.memref_slice %arg7[%dma_wait3A_389, %dma_wait3A_390] : memref<125x80xi32, #tpu.memory_space<vmem>> -> memref<1x80xi32, #tpu.memory_space<vmem>>
      %dma_wait3A_392 = tpu.memref_squeeze %dma_wait3A_391 : memref<1x80xi32, #tpu.memory_space<vmem>> -> memref<80xi32, #tpu.memory_space<vmem>>
      %dma_wait3A_393 = arith.constant 0 : i32
      %dma_wait3A_394 = arith.constant 0 : i32
      %dma_wait3A_395 = tpu.memref_slice %arg8[%dma_wait3A_393, %dma_wait3A_394] : memref<10240x16xf32, #tpu.memory_space<vmem_shared>> -> memref<10240x16xf32, #tpu.memory_space<vmem_shared>>
      tpu.wait_indirect_dma semaphore(%arg9 : memref<!tpu.dma_semaphore, #tpu.memory_space<semaphore_mem>>) src(%arg6 : memref<80x16xf32, #tpu.memory_space<vmem>>) dst(%dma_wait3A_395 : memref<10240x16xf32, #tpu.memory_space<vmem_shared>>)
    }
    %scan3A_110 = arith.constant 11 : i32
    %dma_start3A_111 = arith.constant 120 : i32
    %dma_start3A_112 = arith.constant 0 : i32
    %dma_start3A_113 = tpu.memref_slice %arg7[%dma_start3A_111, %dma_start3A_112] : memref<125x80xi32, #tpu.memory_space<vmem>> -> memref<1x80xi32, #tpu.memory_space<vmem>>
    %dma_start3A_114 = tpu.memref_squeeze %dma_start3A_113 : memref<1x80xi32, #tpu.memory_space<vmem>> -> memref<80xi32, #tpu.memory_space<vmem>>
    %dma_start3A_115 = arith.constant 0 : i32
    %dma_start3A_116 = arith.constant 0 : i32
    %dma_start3A_117 = tpu.memref_slice %arg8[%dma_start3A_115, %dma_start3A_116] : memref<10240x16xf32, #tpu.memory_space<vmem_shared>> -> memref<10240x16xf32, #tpu.memory_space<vmem_shared>>
    tpu.enqueue_indirect_dma source(%arg6 : memref<80x16xf32, #tpu.memory_space<vmem>>) target(%dma_start3A_117 : memref<10240x16xf32, #tpu.memory_space<vmem_shared>>) offsets(%dma_start3A_114 : memref<80xi32, #tpu.memory_space<vmem>>) semaphore(%arg9 : memref<!tpu.dma_semaphore, #tpu.memory_space<semaphore_mem>>) {add = true}
    %dma_start3A_118 = arith.constant 121 : i32
    %dma_start3A_119 = arith.constant 0 : i32
    %dma_start3A_120 = tpu.memref_slice %arg7[%dma_start3A_118, %dma_start3A_119] : memref<125x80xi32, #tpu.memory_space<vmem>> -> memref<1x80xi32, #tpu.memory_space<vmem>>
    %dma_start3A_121 = tpu.memref_squeeze %dma_start3A_120 : memref<1x80xi32, #tpu.memory_space<vmem>> -> memref<80xi32, #tpu.memory_space<vmem>>
    %dma_start3A_122 = arith.constant 0 : i32
    %dma_start3A_123 = arith.constant 0 : i32
    %dma_start3A_124 = tpu.memref_slice %arg8[%dma_start3A_122, %dma_start3A_123] : memref<10240x16xf32, #tpu.memory_space<vmem_shared>> -> memref<10240x16xf32, #tpu.memory_space<vmem_shared>>
    tpu.enqueue_indirect_dma source(%arg6 : memref<80x16xf32, #tpu.memory_space<vmem>>) target(%dma_start3A_124 : memref<10240x16xf32, #tpu.memory_space<vmem_shared>>) offsets(%dma_start3A_121 : memref<80xi32, #tpu.memory_space<vmem>>) semaphore(%arg9 : memref<!tpu.dma_semaphore, #tpu.memory_space<semaphore_mem>>) {add = true}
    %dma_start3A_125 = arith.constant 122 : i32
    %dma_start3A_126 = arith.constant 0 : i32
    %dma_start3A_127 = tpu.memref_slice %arg7[%dma_start3A_125, %dma_start3A_126] : memref<125x80xi32, #tpu.memory_space<vmem>> -> memref<1x80xi32, #tpu.memory_space<vmem>>
    %dma_start3A_128 = tpu.memref_squeeze %dma_start3A_127 : memref<1x80xi32, #tpu.memory_space<vmem>> -> memref<80xi32, #tpu.memory_space<vmem>>
    %dma_start3A_129 = arith.constant 0 : i32
    %dma_start3A_130 = arith.constant 0 : i32
    %dma_start3A_131 = tpu.memref_slice %arg8[%dma_start3A_129, %dma_start3A_130] : memref<10240x16xf32, #tpu.memory_space<vmem_shared>> -> memref<10240x16xf32, #tpu.memory_space<vmem_shared>>
    tpu.enqueue_indirect_dma source(%arg6 : memref<80x16xf32, #tpu.memory_space<vmem>>) target(%dma_start3A_131 : memref<10240x16xf32, #tpu.memory_space<vmem_shared>>) offsets(%dma_start3A_128 : memref<80xi32, #tpu.memory_space<vmem>>) semaphore(%arg9 : memref<!tpu.dma_semaphore, #tpu.memory_space<semaphore_mem>>) {add = true}
    %dma_start3A_132 = arith.constant 123 : i32
    %dma_start3A_133 = arith.constant 0 : i32
    %dma_start3A_134 = tpu.memref_slice %arg7[%dma_start3A_132, %dma_start3A_133] : memref<125x80xi32, #tpu.memory_space<vmem>> -> memref<1x80xi32, #tpu.memory_space<vmem>>
    %dma_start3A_135 = tpu.memref_squeeze %dma_start3A_134 : memref<1x80xi32, #tpu.memory_space<vmem>> -> memref<80xi32, #tpu.memory_space<vmem>>
    %dma_start3A_136 = arith.constant 0 : i32
    %dma_start3A_137 = arith.constant 0 : i32
    %dma_start3A_138 = tpu.memref_slice %arg8[%dma_start3A_136, %dma_start3A_137] : memref<10240x16xf32, #tpu.memory_space<vmem_shared>> -> memref<10240x16xf32, #tpu.memory_space<vmem_shared>>
    tpu.enqueue_indirect_dma source(%arg6 : memref<80x16xf32, #tpu.memory_space<vmem>>) target(%dma_start3A_138 : memref<10240x16xf32, #tpu.memory_space<vmem_shared>>) offsets(%dma_start3A_135 : memref<80xi32, #tpu.memory_space<vmem>>) semaphore(%arg9 : memref<!tpu.dma_semaphore, #tpu.memory_space<semaphore_mem>>) {add = true}
    %dma_start3A_139 = arith.constant 124 : i32
    %dma_start3A_140 = arith.constant 0 : i32
    %dma_start3A_141 = tpu.memref_slice %arg7[%dma_start3A_139, %dma_start3A_140] : memref<125x80xi32, #tpu.memory_space<vmem>> -> memref<1x80xi32, #tpu.memory_space<vmem>>
    %dma_start3A_142 = tpu.memref_squeeze %dma_start3A_141 : memref<1x80xi32, #tpu.memory_space<vmem>> -> memref<80xi32, #tpu.memory_space<vmem>>
    %dma_start3A_143 = arith.constant 0 : i32
    %dma_start3A_144 = arith.constant 0 : i32
    %dma_start3A_145 = tpu.memref_slice %arg8[%dma_start3A_143, %dma_start3A_144] : memref<10240x16xf32, #tpu.memory_space<vmem_shared>> -> memref<10240x16xf32, #tpu.memory_space<vmem_shared>>
    tpu.enqueue_indirect_dma source(%arg6 : memref<80x16xf32, #tpu.memory_space<vmem>>) target(%dma_start3A_145 : memref<10240x16xf32, #tpu.memory_space<vmem_shared>>) offsets(%dma_start3A_142 : memref<80xi32, #tpu.memory_space<vmem>>) semaphore(%arg9 : memref<!tpu.dma_semaphore, #tpu.memory_space<semaphore_mem>>) {add = true}
    %dma_wait3A_146 = arith.constant 0 : i32
    %dma_wait3A_147 = arith.constant 0 : i32
    %dma_wait3A_148 = tpu.memref_slice %arg7[%dma_wait3A_146, %dma_wait3A_147] : memref<125x80xi32, #tpu.memory_space<vmem>> -> memref<1x80xi32, #tpu.memory_space<vmem>>
    %dma_wait3A_149 = tpu.memref_squeeze %dma_wait3A_148 : memref<1x80xi32, #tpu.memory_space<vmem>> -> memref<80xi32, #tpu.memory_space<vmem>>
    %dma_wait3A_150 = arith.constant 0 : i32
    %dma_wait3A_151 = arith.constant 0 : i32
    %dma_wait3A_152 = tpu.memref_slice %arg8[%dma_wait3A_150, %dma_wait3A_151] : memref<10240x16xf32, #tpu.memory_space<vmem_shared>> -> memref<10240x16xf32, #tpu.memory_space<vmem_shared>>
    tpu.wait_indirect_dma semaphore(%arg10 : memref<!tpu.dma_semaphore, #tpu.memory_space<semaphore_mem>>) src(%arg6 : memref<80x16xf32, #tpu.memory_space<vmem>>) dst(%dma_wait3A_152 : memref<10240x16xf32, #tpu.memory_space<vmem_shared>>)
    %dma_wait3A_153 = arith.constant 0 : i32
    %dma_wait3A_154 = arith.constant 0 : i32
    %dma_wait3A_155 = tpu.memref_slice %arg7[%dma_wait3A_153, %dma_wait3A_154] : memref<125x80xi32, #tpu.memory_space<vmem>> -> memref<1x80xi32, #tpu.memory_space<vmem>>
    %dma_wait3A_156 = tpu.memref_squeeze %dma_wait3A_155 : memref<1x80xi32, #tpu.memory_space<vmem>> -> memref<80xi32, #tpu.memory_space<vmem>>
    %dma_wait3A_157 = arith.constant 0 : i32
    %dma_wait3A_158 = arith.constant 0 : i32
    %dma_wait3A_159 = tpu.memref_slice %arg8[%dma_wait3A_157, %dma_wait3A_158] : memref<10240x16xf32, #tpu.memory_space<vmem_shared>> -> memref<10240x16xf32, #tpu.memory_space<vmem_shared>>
    tpu.wait_indirect_dma semaphore(%arg10 : memref<!tpu.dma_semaphore, #tpu.memory_space<semaphore_mem>>) src(%arg6 : memref<80x16xf32, #tpu.memory_space<vmem>>) dst(%dma_wait3A_159 : memref<10240x16xf32, #tpu.memory_space<vmem_shared>>)
    %dma_wait3A_160 = arith.constant 0 : i32
    %dma_wait3A_161 = arith.constant 0 : i32
    %dma_wait3A_162 = tpu.memref_slice %arg7[%dma_wait3A_160, %dma_wait3A_161] : memref<125x80xi32, #tpu.memory_space<vmem>> -> memref<1x80xi32, #tpu.memory_space<vmem>>
    %dma_wait3A_163 = tpu.memref_squeeze %dma_wait3A_162 : memref<1x80xi32, #tpu.memory_space<vmem>> -> memref<80xi32, #tpu.memory_space<vmem>>
    %dma_wait3A_164 = arith.constant 0 : i32
    %dma_wait3A_165 = arith.constant 0 : i32
    %dma_wait3A_166 = tpu.memref_slice %arg8[%dma_wait3A_164, %dma_wait3A_165] : memref<10240x16xf32, #tpu.memory_space<vmem_shared>> -> memref<10240x16xf32, #tpu.memory_space<vmem_shared>>
    tpu.wait_indirect_dma semaphore(%arg10 : memref<!tpu.dma_semaphore, #tpu.memory_space<semaphore_mem>>) src(%arg6 : memref<80x16xf32, #tpu.memory_space<vmem>>) dst(%dma_wait3A_166 : memref<10240x16xf32, #tpu.memory_space<vmem_shared>>)
    %dma_wait3A_167 = arith.constant 0 : i32
    %dma_wait3A_168 = arith.constant 0 : i32
    %dma_wait3A_169 = tpu.memref_slice %arg7[%dma_wait3A_167, %dma_wait3A_168] : memref<125x80xi32, #tpu.memory_space<vmem>> -> memref<1x80xi32, #tpu.memory_space<vmem>>
    %dma_wait3A_170 = tpu.memref_squeeze %dma_wait3A_169 : memref<1x80xi32, #tpu.memory_space<vmem>> -> memref<80xi32, #tpu.memory_space<vmem>>
    %dma_wait3A_171 = arith.constant 0 : i32
    %dma_wait3A_172 = arith.constant 0 : i32
    %dma_wait3A_173 = tpu.memref_slice %arg8[%dma_wait3A_171, %dma_wait3A_172] : memref<10240x16xf32, #tpu.memory_space<vmem_shared>> -> memref<10240x16xf32, #tpu.memory_space<vmem_shared>>
    tpu.wait_indirect_dma semaphore(%arg10 : memref<!tpu.dma_semaphore, #tpu.memory_space<semaphore_mem>>) src(%arg6 : memref<80x16xf32, #tpu.memory_space<vmem>>) dst(%dma_wait3A_173 : memref<10240x16xf32, #tpu.memory_space<vmem_shared>>)
    %dma_wait3A_174 = arith.constant 0 : i32
    %dma_wait3A_175 = arith.constant 0 : i32
    %dma_wait3A_176 = tpu.memref_slice %arg7[%dma_wait3A_174, %dma_wait3A_175] : memref<125x80xi32, #tpu.memory_space<vmem>> -> memref<1x80xi32, #tpu.memory_space<vmem>>
    %dma_wait3A_177 = tpu.memref_squeeze %dma_wait3A_176 : memref<1x80xi32, #tpu.memory_space<vmem>> -> memref<80xi32, #tpu.memory_space<vmem>>
    %dma_wait3A_178 = arith.constant 0 : i32
    %dma_wait3A_179 = arith.constant 0 : i32
    %dma_wait3A_180 = tpu.memref_slice %arg8[%dma_wait3A_178, %dma_wait3A_179] : memref<10240x16xf32, #tpu.memory_space<vmem_shared>> -> memref<10240x16xf32, #tpu.memory_space<vmem_shared>>
    tpu.wait_indirect_dma semaphore(%arg10 : memref<!tpu.dma_semaphore, #tpu.memory_space<semaphore_mem>>) src(%arg6 : memref<80x16xf32, #tpu.memory_space<vmem>>) dst(%dma_wait3A_180 : memref<10240x16xf32, #tpu.memory_space<vmem_shared>>)
    %dma_wait3A_181 = arith.constant 0 : i32
    %dma_wait3A_182 = arith.constant 0 : i32
    %dma_wait3A_183 = tpu.memref_slice %arg7[%dma_wait3A_181, %dma_wait3A_182] : memref<125x80xi32, #tpu.memory_space<vmem>> -> memref<1x80xi32, #tpu.memory_space<vmem>>
    %dma_wait3A_184 = tpu.memref_squeeze %dma_wait3A_183 : memref<1x80xi32, #tpu.memory_space<vmem>> -> memref<80xi32, #tpu.memory_space<vmem>>
    %dma_wait3A_185 = arith.constant 0 : i32
    %dma_wait3A_186 = arith.constant 0 : i32
    %dma_wait3A_187 = tpu.memref_slice %arg8[%dma_wait3A_185, %dma_wait3A_186] : memref<10240x16xf32, #tpu.memory_space<vmem_shared>> -> memref<10240x16xf32, #tpu.memory_space<vmem_shared>>
    tpu.wait_indirect_dma semaphore(%arg9 : memref<!tpu.dma_semaphore, #tpu.memory_space<semaphore_mem>>) src(%arg6 : memref<80x16xf32, #tpu.memory_space<vmem>>) dst(%dma_wait3A_187 : memref<10240x16xf32, #tpu.memory_space<vmem_shared>>)
    %dma_wait3A_188 = arith.constant 0 : i32
    %dma_wait3A_189 = arith.constant 0 : i32
    %dma_wait3A_190 = tpu.memref_slice %arg7[%dma_wait3A_188, %dma_wait3A_189] : memref<125x80xi32, #tpu.memory_space<vmem>> -> memref<1x80xi32, #tpu.memory_space<vmem>>
    %dma_wait3A_191 = tpu.memref_squeeze %dma_wait3A_190 : memref<1x80xi32, #tpu.memory_space<vmem>> -> memref<80xi32, #tpu.memory_space<vmem>>
    %dma_wait3A_192 = arith.constant 0 : i32
    %dma_wait3A_193 = arith.constant 0 : i32
    %dma_wait3A_194 = tpu.memref_slice %arg8[%dma_wait3A_192, %dma_wait3A_193] : memref<10240x16xf32, #tpu.memory_space<vmem_shared>> -> memref<10240x16xf32, #tpu.memory_space<vmem_shared>>
    tpu.wait_indirect_dma semaphore(%arg9 : memref<!tpu.dma_semaphore, #tpu.memory_space<semaphore_mem>>) src(%arg6 : memref<80x16xf32, #tpu.memory_space<vmem>>) dst(%dma_wait3A_194 : memref<10240x16xf32, #tpu.memory_space<vmem_shared>>)
    %dma_wait3A_195 = arith.constant 0 : i32
    %dma_wait3A_196 = arith.constant 0 : i32
    %dma_wait3A_197 = tpu.memref_slice %arg7[%dma_wait3A_195, %dma_wait3A_196] : memref<125x80xi32, #tpu.memory_space<vmem>> -> memref<1x80xi32, #tpu.memory_space<vmem>>
    %dma_wait3A_198 = tpu.memref_squeeze %dma_wait3A_197 : memref<1x80xi32, #tpu.memory_space<vmem>> -> memref<80xi32, #tpu.memory_space<vmem>>
    %dma_wait3A_199 = arith.constant 0 : i32
    %dma_wait3A_200 = arith.constant 0 : i32
    %dma_wait3A_201 = tpu.memref_slice %arg8[%dma_wait3A_199, %dma_wait3A_200] : memref<10240x16xf32, #tpu.memory_space<vmem_shared>> -> memref<10240x16xf32, #tpu.memory_space<vmem_shared>>
    tpu.wait_indirect_dma semaphore(%arg9 : memref<!tpu.dma_semaphore, #tpu.memory_space<semaphore_mem>>) src(%arg6 : memref<80x16xf32, #tpu.memory_space<vmem>>) dst(%dma_wait3A_201 : memref<10240x16xf32, #tpu.memory_space<vmem_shared>>)
    %dma_wait3A_202 = arith.constant 0 : i32
    %dma_wait3A_203 = arith.constant 0 : i32
    %dma_wait3A_204 = tpu.memref_slice %arg7[%dma_wait3A_202, %dma_wait3A_203] : memref<125x80xi32, #tpu.memory_space<vmem>> -> memref<1x80xi32, #tpu.memory_space<vmem>>
    %dma_wait3A_205 = tpu.memref_squeeze %dma_wait3A_204 : memref<1x80xi32, #tpu.memory_space<vmem>> -> memref<80xi32, #tpu.memory_space<vmem>>
    %dma_wait3A_206 = arith.constant 0 : i32
    %dma_wait3A_207 = arith.constant 0 : i32
    %dma_wait3A_208 = tpu.memref_slice %arg8[%dma_wait3A_206, %dma_wait3A_207] : memref<10240x16xf32, #tpu.memory_space<vmem_shared>> -> memref<10240x16xf32, #tpu.memory_space<vmem_shared>>
    tpu.wait_indirect_dma semaphore(%arg9 : memref<!tpu.dma_semaphore, #tpu.memory_space<semaphore_mem>>) src(%arg6 : memref<80x16xf32, #tpu.memory_space<vmem>>) dst(%dma_wait3A_208 : memref<10240x16xf32, #tpu.memory_space<vmem_shared>>)
    %dma_wait3A_209 = arith.constant 0 : i32
    %dma_wait3A_210 = arith.constant 0 : i32
    %dma_wait3A_211 = tpu.memref_slice %arg7[%dma_wait3A_209, %dma_wait3A_210] : memref<125x80xi32, #tpu.memory_space<vmem>> -> memref<1x80xi32, #tpu.memory_space<vmem>>
    %dma_wait3A_212 = tpu.memref_squeeze %dma_wait3A_211 : memref<1x80xi32, #tpu.memory_space<vmem>> -> memref<80xi32, #tpu.memory_space<vmem>>
    %dma_wait3A_213 = arith.constant 0 : i32
    %dma_wait3A_214 = arith.constant 0 : i32
    %dma_wait3A_215 = tpu.memref_slice %arg8[%dma_wait3A_213, %dma_wait3A_214] : memref<10240x16xf32, #tpu.memory_space<vmem_shared>> -> memref<10240x16xf32, #tpu.memory_space<vmem_shared>>
    tpu.wait_indirect_dma semaphore(%arg9 : memref<!tpu.dma_semaphore, #tpu.memory_space<semaphore_mem>>) src(%arg6 : memref<80x16xf32, #tpu.memory_space<vmem>>) dst(%dma_wait3A_215 : memref<10240x16xf32, #tpu.memory_space<vmem_shared>>)
    %barrier3A_216 = arith.constant 0 : index
    tpu.barrier barrier_id(%barrier3A_216)
    "tpu.region"() ({
      %run_scoped3A = tpu.sem_alloc : memref<!tpu.dma_semaphore, #tpu.memory_space<semaphore_mem>>
      %dma_start3A_217 = arith.constant 0 : i32
      %dma_start3A_218 = tpu.memref_slice %arg5[%arg0, %mul3A_2, %dma_start3A_217] : memref<2x10240x16xf32, #tpu.memory_space<hbm>> -> memref<1x640x16xf32, #tpu.memory_space<hbm>>
      %dma_start3A_219 = tpu.memref_squeeze %dma_start3A_218 : memref<1x640x16xf32, #tpu.memory_space<hbm>> -> memref<640x16xf32, #tpu.memory_space<hbm>>
      %dma_start3A_220 = arith.constant 0 : i32
      %dma_start3A_221 = tpu.memref_slice %arg8[%mul3A_2, %dma_start3A_220] : memref<10240x16xf32, #tpu.memory_space<vmem_shared>> -> memref<640x16xf32, #tpu.memory_space<vmem_shared>>
      tpu.enqueue_dma source(%dma_start3A_221 : memref<640x16xf32, #tpu.memory_space<vmem_shared>>) target(%dma_start3A_219 : memref<640x16xf32, #tpu.memory_space<hbm>>) target_semaphore(%run_scoped3A : memref<!tpu.dma_semaphore, #tpu.memory_space<semaphore_mem>>)
      %dma_wait3A_222 = arith.constant 0 : i32
      %dma_wait3A_223 = tpu.memref_slice %arg5[%arg0, %mul3A_2, %dma_wait3A_222] : memref<2x10240x16xf32, #tpu.memory_space<hbm>> -> memref<1x640x16xf32, #tpu.memory_space<hbm>>
      %dma_wait3A_224 = tpu.memref_squeeze %dma_wait3A_223 : memref<1x640x16xf32, #tpu.memory_space<hbm>> -> memref<640x16xf32, #tpu.memory_space<hbm>>
      %dma_wait3A_225 = arith.constant 0 : i32
      %dma_wait3A_226 = tpu.memref_slice %arg8[%mul3A_2, %dma_wait3A_225] : memref<10240x16xf32, #tpu.memory_space<vmem_shared>> -> memref<640x16xf32, #tpu.memory_space<vmem_shared>>
      tpu.wait_dma2 semaphore(%run_scoped3A : memref<!tpu.dma_semaphore, #tpu.memory_space<semaphore_mem>>) src(%dma_wait3A_226 : memref<640x16xf32, #tpu.memory_space<vmem_shared>>) dst(%dma_wait3A_224 : memref<640x16xf32, #tpu.memory_space<hbm>>)
      tpu.yield
    }) : () -> ()
    return
  }
}

#map = affine_map<(d0, d1) -> (0, 0)>
#map1 = affine_map<(d0, d1) -> (0)>
#map2 = affine_map<(d0, d1) -> (0, 0, 0)>
module attributes {stable_mosaic.version = 14 : i64} {
  func.func @body_fn(%arg0: i32, %arg1: i32, %arg2: memref<10000x128xf32, #tpu.memory_space<hbm>>, %arg3: memref<320000xi32, #tpu.memory_space<hbm>>, %arg4: memref<32x125x80xi32, #tpu.memory_space<hbm>>, %arg5: memref<10240x128xf32, #tpu.memory_space<hbm>>, %arg6: memref<2x10240x128xf32, #tpu.memory_space<hbm>>, %arg7: memref<10000xi32, #tpu.memory_space<vmem>>, %arg8: memref<125x80xi32, #tpu.memory_space<vmem>>, %arg9: memref<80x128xf32, #tpu.memory_space<vmem>>, %arg10: memref<80x128xf32, #tpu.memory_space<vmem>>, %arg11: memref<10240x128xf32, #tpu.memory_space<vmem_shared>>, %arg12: memref<!tpu.dma_semaphore, #tpu.memory_space<semaphore_mem>>, %arg13: memref<!tpu.dma_semaphore, #tpu.memory_space<semaphore_mem>>, %arg14: memref<!tpu.dma_semaphore, #tpu.memory_space<semaphore_mem>>, %arg15: memref<!tpu.dma_semaphore, #tpu.memory_space<semaphore_mem>>) attributes {dimension_semantics = [#tpu.dimension_semantics<core_parallel>, #tpu.dimension_semantics<subcore_parallel>], iteration_bounds = array<i64: 2, 16>, scalar_prefetch = 0 : i64, scratch_operands = 9 : i64, tpu.core_type = #tpu.core_type<sc_vector_subcore>, window_params = [{transform_indices = #map}, {transform_indices = #map1}, {transform_indices = #map2}, {transform_indices = #map}, {transform_indices = #map2}]} {
    %mul3A = arith.constant 16 : i32
    %mul3A_0 = arith.muli %arg0, %mul3A : i32
    %add3A = arith.addi %mul3A_0, %arg1 : i32
    %mul3A_1 = arith.constant 10000 : i32
    %mul3A_2 = arith.muli %add3A, %mul3A_1 : i32
    %mul3A_3 = arith.constant 640 : i32
    %mul3A_4 = arith.muli %arg1, %mul3A_3 : i32
    "tpu.region"() ({
      %run_scoped3A = tpu.sem_alloc : memref<!tpu.dma_semaphore, #tpu.memory_space<semaphore_mem>>
      %dma_start3A_81 = tpu.memref_slice %arg3[%mul3A_2] : memref<320000xi32, #tpu.memory_space<hbm>> -> memref<10000xi32, #tpu.memory_space<hbm>>
      %dma_start3A_82 = tpu.memref_slice %arg3[%mul3A_2] : memref<320000xi32, #tpu.memory_space<hbm>> -> memref<10000xi32, #tpu.memory_space<hbm>>
      tpu.enqueue_dma source(%dma_start3A_82 : memref<10000xi32, #tpu.memory_space<hbm>>) target(%arg7 : memref<10000xi32, #tpu.memory_space<vmem>>) target_semaphore(%run_scoped3A : memref<!tpu.dma_semaphore, #tpu.memory_space<semaphore_mem>>)
      %dma_wait3A_83 = tpu.memref_slice %arg3[%mul3A_2] : memref<320000xi32, #tpu.memory_space<hbm>> -> memref<10000xi32, #tpu.memory_space<hbm>>
      %dma_wait3A_84 = tpu.memref_slice %arg3[%mul3A_2] : memref<320000xi32, #tpu.memory_space<hbm>> -> memref<10000xi32, #tpu.memory_space<hbm>>
      tpu.wait_dma2 semaphore(%run_scoped3A : memref<!tpu.dma_semaphore, #tpu.memory_space<semaphore_mem>>) src(%dma_wait3A_84 : memref<10000xi32, #tpu.memory_space<hbm>>) dst(%arg7 : memref<10000xi32, #tpu.memory_space<vmem>>)
      tpu.yield
    }) : () -> ()
    "tpu.region"() ({
      %run_scoped3A = tpu.sem_alloc : memref<!tpu.dma_semaphore, #tpu.memory_space<semaphore_mem>>
      %dma_start3A_81 = arith.constant 0 : i32
      %dma_start3A_82 = arith.constant 0 : i32
      %dma_start3A_83 = tpu.memref_slice %arg4[%add3A, %dma_start3A_81, %dma_start3A_82] : memref<32x125x80xi32, #tpu.memory_space<hbm>> -> memref<1x125x80xi32, #tpu.memory_space<hbm>>
      %dma_start3A_84 = tpu.memref_squeeze %dma_start3A_83 : memref<1x125x80xi32, #tpu.memory_space<hbm>> -> memref<125x80xi32, #tpu.memory_space<hbm>>
      %dma_start3A_85 = arith.constant 0 : i32
      %dma_start3A_86 = arith.constant 0 : i32
      %dma_start3A_87 = tpu.memref_slice %arg4[%add3A, %dma_start3A_85, %dma_start3A_86] : memref<32x125x80xi32, #tpu.memory_space<hbm>> -> memref<1x125x80xi32, #tpu.memory_space<hbm>>
      %dma_start3A_88 = tpu.memref_squeeze %dma_start3A_87 : memref<1x125x80xi32, #tpu.memory_space<hbm>> -> memref<125x80xi32, #tpu.memory_space<hbm>>
      tpu.enqueue_dma source(%dma_start3A_88 : memref<125x80xi32, #tpu.memory_space<hbm>>) target(%arg8 : memref<125x80xi32, #tpu.memory_space<vmem>>) target_semaphore(%run_scoped3A : memref<!tpu.dma_semaphore, #tpu.memory_space<semaphore_mem>>)
      %dma_wait3A_89 = arith.constant 0 : i32
      %dma_wait3A_90 = arith.constant 0 : i32
      %dma_wait3A_91 = tpu.memref_slice %arg4[%add3A, %dma_wait3A_89, %dma_wait3A_90] : memref<32x125x80xi32, #tpu.memory_space<hbm>> -> memref<1x125x80xi32, #tpu.memory_space<hbm>>
      %dma_wait3A_92 = tpu.memref_squeeze %dma_wait3A_91 : memref<1x125x80xi32, #tpu.memory_space<hbm>> -> memref<125x80xi32, #tpu.memory_space<hbm>>
      %dma_wait3A_93 = arith.constant 0 : i32
      %dma_wait3A_94 = arith.constant 0 : i32
      %dma_wait3A_95 = tpu.memref_slice %arg4[%add3A, %dma_wait3A_93, %dma_wait3A_94] : memref<32x125x80xi32, #tpu.memory_space<hbm>> -> memref<1x125x80xi32, #tpu.memory_space<hbm>>
      %dma_wait3A_96 = tpu.memref_squeeze %dma_wait3A_95 : memref<1x125x80xi32, #tpu.memory_space<hbm>> -> memref<125x80xi32, #tpu.memory_space<hbm>>
      tpu.wait_dma2 semaphore(%run_scoped3A : memref<!tpu.dma_semaphore, #tpu.memory_space<semaphore_mem>>) src(%dma_wait3A_96 : memref<125x80xi32, #tpu.memory_space<hbm>>) dst(%arg8 : memref<125x80xi32, #tpu.memory_space<vmem>>)
      tpu.yield
    }) : () -> ()
    %dma_start3A = arith.constant 0 : i32
    %dma_start3A_5 = tpu.memref_slice %arg7[%dma_start3A] : memref<10000xi32, #tpu.memory_space<vmem>> -> memref<80xi32, #tpu.memory_space<vmem>>
    %dma_start3A_6 = arith.constant 0 : i32
    %dma_start3A_7 = arith.constant 0 : i32
    %dma_start3A_8 = tpu.memref_slice %arg2[%dma_start3A_6, %dma_start3A_7] : memref<10000x128xf32, #tpu.memory_space<hbm>> -> memref<10000x128xf32, #tpu.memory_space<hbm>>
    tpu.enqueue_indirect_dma source(%dma_start3A_8 : memref<10000x128xf32, #tpu.memory_space<hbm>>) target(%arg9 : memref<80x128xf32, #tpu.memory_space<vmem>>) offsets(%dma_start3A_5 : memref<80xi32, #tpu.memory_space<vmem>>) semaphore(%arg12 : memref<!tpu.dma_semaphore, #tpu.memory_space<semaphore_mem>>)
    "tpu.region"() ({
      %run_scoped3A = tpu.sem_alloc : memref<!tpu.dma_semaphore, #tpu.memory_space<semaphore_mem>>
      %dma_start3A_81 = arith.constant 0 : i32
      %dma_start3A_82 = tpu.memref_slice %arg11[%mul3A_4, %dma_start3A_81] : memref<10240x128xf32, #tpu.memory_space<vmem_shared>> -> memref<640x128xf32, #tpu.memory_space<vmem_shared>>
      %dma_start3A_83 = arith.constant 0 : i32
      %dma_start3A_84 = tpu.memref_slice %arg5[%mul3A_4, %dma_start3A_83] : memref<10240x128xf32, #tpu.memory_space<hbm>> -> memref<640x128xf32, #tpu.memory_space<hbm>>
      tpu.enqueue_dma source(%dma_start3A_84 : memref<640x128xf32, #tpu.memory_space<hbm>>) target(%dma_start3A_82 : memref<640x128xf32, #tpu.memory_space<vmem_shared>>) target_semaphore(%run_scoped3A : memref<!tpu.dma_semaphore, #tpu.memory_space<semaphore_mem>>)
      %dma_wait3A_85 = arith.constant 0 : i32
      %dma_wait3A_86 = tpu.memref_slice %arg11[%mul3A_4, %dma_wait3A_85] : memref<10240x128xf32, #tpu.memory_space<vmem_shared>> -> memref<640x128xf32, #tpu.memory_space<vmem_shared>>
      %dma_wait3A_87 = arith.constant 0 : i32
      %dma_wait3A_88 = tpu.memref_slice %arg5[%mul3A_4, %dma_wait3A_87] : memref<10240x128xf32, #tpu.memory_space<hbm>> -> memref<640x128xf32, #tpu.memory_space<hbm>>
      tpu.wait_dma2 semaphore(%run_scoped3A : memref<!tpu.dma_semaphore, #tpu.memory_space<semaphore_mem>>) src(%dma_wait3A_88 : memref<640x128xf32, #tpu.memory_space<hbm>>) dst(%dma_wait3A_86 : memref<640x128xf32, #tpu.memory_space<vmem_shared>>)
      tpu.yield
    }) : () -> ()
    %barrier3A = arith.constant 0 : index
    tpu.barrier barrier_id(%barrier3A)
    %dma_wait3A = arith.constant 0 : i32
    %dma_wait3A_9 = tpu.memref_slice %arg7[%dma_wait3A] : memref<10000xi32, #tpu.memory_space<vmem>> -> memref<80xi32, #tpu.memory_space<vmem>>
    %dma_wait3A_10 = arith.constant 0 : i32
    %dma_wait3A_11 = arith.constant 0 : i32
    %dma_wait3A_12 = tpu.memref_slice %arg2[%dma_wait3A_10, %dma_wait3A_11] : memref<10000x128xf32, #tpu.memory_space<hbm>> -> memref<10000x128xf32, #tpu.memory_space<hbm>>
    tpu.wait_indirect_dma semaphore(%arg12 : memref<!tpu.dma_semaphore, #tpu.memory_space<semaphore_mem>>) src(%dma_wait3A_12 : memref<10000x128xf32, #tpu.memory_space<hbm>>) dst(%arg9 : memref<80x128xf32, #tpu.memory_space<vmem>>)
    %dma_start3A_13 = arith.constant 0 : i32
    %dma_start3A_14 = arith.constant 0 : i32
    %dma_start3A_15 = tpu.memref_slice %arg8[%dma_start3A_13, %dma_start3A_14] : memref<125x80xi32, #tpu.memory_space<vmem>> -> memref<1x80xi32, #tpu.memory_space<vmem>>
    %dma_start3A_16 = tpu.memref_squeeze %dma_start3A_15 : memref<1x80xi32, #tpu.memory_space<vmem>> -> memref<80xi32, #tpu.memory_space<vmem>>
    %dma_start3A_17 = arith.constant 0 : i32
    %dma_start3A_18 = arith.constant 0 : i32
    %dma_start3A_19 = tpu.memref_slice %arg11[%dma_start3A_17, %dma_start3A_18] : memref<10240x128xf32, #tpu.memory_space<vmem_shared>> -> memref<10240x128xf32, #tpu.memory_space<vmem_shared>>
    tpu.enqueue_indirect_dma source(%arg9 : memref<80x128xf32, #tpu.memory_space<vmem>>) target(%dma_start3A_19 : memref<10240x128xf32, #tpu.memory_space<vmem_shared>>) offsets(%dma_start3A_16 : memref<80xi32, #tpu.memory_space<vmem>>) semaphore(%arg14 : memref<!tpu.dma_semaphore, #tpu.memory_space<semaphore_mem>>) {add = true}
    %dma_start3A_20 = arith.constant 80 : i32
    %dma_start3A_21 = tpu.memref_slice %arg7[%dma_start3A_20] : memref<10000xi32, #tpu.memory_space<vmem>> -> memref<80xi32, #tpu.memory_space<vmem>>
    %dma_start3A_22 = arith.constant 0 : i32
    %dma_start3A_23 = arith.constant 0 : i32
    %dma_start3A_24 = tpu.memref_slice %arg2[%dma_start3A_22, %dma_start3A_23] : memref<10000x128xf32, #tpu.memory_space<hbm>> -> memref<10000x128xf32, #tpu.memory_space<hbm>>
    tpu.enqueue_indirect_dma source(%dma_start3A_24 : memref<10000x128xf32, #tpu.memory_space<hbm>>) target(%arg10 : memref<80x128xf32, #tpu.memory_space<vmem>>) offsets(%dma_start3A_21 : memref<80xi32, #tpu.memory_space<vmem>>) semaphore(%arg13 : memref<!tpu.dma_semaphore, #tpu.memory_space<semaphore_mem>>)
    %dma_wait3A_25 = arith.constant 0 : i32
    %dma_wait3A_26 = tpu.memref_slice %arg7[%dma_wait3A_25] : memref<10000xi32, #tpu.memory_space<vmem>> -> memref<80xi32, #tpu.memory_space<vmem>>
    %dma_wait3A_27 = arith.constant 0 : i32
    %dma_wait3A_28 = arith.constant 0 : i32
    %dma_wait3A_29 = tpu.memref_slice %arg2[%dma_wait3A_27, %dma_wait3A_28] : memref<10000x128xf32, #tpu.memory_space<hbm>> -> memref<10000x128xf32, #tpu.memory_space<hbm>>
    tpu.wait_indirect_dma semaphore(%arg13 : memref<!tpu.dma_semaphore, #tpu.memory_space<semaphore_mem>>) src(%dma_wait3A_29 : memref<10000x128xf32, #tpu.memory_space<hbm>>) dst(%arg10 : memref<80x128xf32, #tpu.memory_space<vmem>>)
    %dma_start3A_30 = arith.constant 1 : i32
    %dma_start3A_31 = arith.constant 0 : i32
    %dma_start3A_32 = tpu.memref_slice %arg8[%dma_start3A_30, %dma_start3A_31] : memref<125x80xi32, #tpu.memory_space<vmem>> -> memref<1x80xi32, #tpu.memory_space<vmem>>
    %dma_start3A_33 = tpu.memref_squeeze %dma_start3A_32 : memref<1x80xi32, #tpu.memory_space<vmem>> -> memref<80xi32, #tpu.memory_space<vmem>>
    %dma_start3A_34 = arith.constant 0 : i32
    %dma_start3A_35 = arith.constant 0 : i32
    %dma_start3A_36 = tpu.memref_slice %arg11[%dma_start3A_34, %dma_start3A_35] : memref<10240x128xf32, #tpu.memory_space<vmem_shared>> -> memref<10240x128xf32, #tpu.memory_space<vmem_shared>>
    tpu.enqueue_indirect_dma source(%arg10 : memref<80x128xf32, #tpu.memory_space<vmem>>) target(%dma_start3A_36 : memref<10240x128xf32, #tpu.memory_space<vmem_shared>>) offsets(%dma_start3A_33 : memref<80xi32, #tpu.memory_space<vmem>>) semaphore(%arg15 : memref<!tpu.dma_semaphore, #tpu.memory_space<semaphore_mem>>) {add = true}
    %dma_wait3A_37 = arith.constant 0 : i32
    %dma_wait3A_38 = arith.constant 0 : i32
    %dma_wait3A_39 = tpu.memref_slice %arg8[%dma_wait3A_37, %dma_wait3A_38] : memref<125x80xi32, #tpu.memory_space<vmem>> -> memref<1x80xi32, #tpu.memory_space<vmem>>
    %dma_wait3A_40 = tpu.memref_squeeze %dma_wait3A_39 : memref<1x80xi32, #tpu.memory_space<vmem>> -> memref<80xi32, #tpu.memory_space<vmem>>
    %dma_wait3A_41 = arith.constant 0 : i32
    %dma_wait3A_42 = arith.constant 0 : i32
    %dma_wait3A_43 = tpu.memref_slice %arg11[%dma_wait3A_41, %dma_wait3A_42] : memref<10240x128xf32, #tpu.memory_space<vmem_shared>> -> memref<10240x128xf32, #tpu.memory_space<vmem_shared>>
    tpu.wait_indirect_dma semaphore(%arg14 : memref<!tpu.dma_semaphore, #tpu.memory_space<semaphore_mem>>) src(%arg9 : memref<80x128xf32, #tpu.memory_space<vmem>>) dst(%dma_wait3A_43 : memref<10240x128xf32, #tpu.memory_space<vmem_shared>>)
    %dma_start3A_44 = arith.constant 160 : i32
    %dma_start3A_45 = tpu.memref_slice %arg7[%dma_start3A_44] : memref<10000xi32, #tpu.memory_space<vmem>> -> memref<80xi32, #tpu.memory_space<vmem>>
    %dma_start3A_46 = arith.constant 0 : i32
    %dma_start3A_47 = arith.constant 0 : i32
    %dma_start3A_48 = tpu.memref_slice %arg2[%dma_start3A_46, %dma_start3A_47] : memref<10000x128xf32, #tpu.memory_space<hbm>> -> memref<10000x128xf32, #tpu.memory_space<hbm>>
    tpu.enqueue_indirect_dma source(%dma_start3A_48 : memref<10000x128xf32, #tpu.memory_space<hbm>>) target(%arg9 : memref<80x128xf32, #tpu.memory_space<vmem>>) offsets(%dma_start3A_45 : memref<80xi32, #tpu.memory_space<vmem>>) semaphore(%arg12 : memref<!tpu.dma_semaphore, #tpu.memory_space<semaphore_mem>>)
    %scan3A = arith.constant 0 : i32
    %scan3A_49 = arith.constant 0 : i32
    %scan3A_50 = arith.constant 61 : i32
    %scan3A_51 = arith.addi %scan3A_49, %scan3A_50 : i32
    %scan3A_52 = arith.constant 1 : i32
    scf.for %scan3A_81 = %scan3A_49 to %scan3A_51 step %scan3A_52  : i32 {
      %mul3A_82 = arith.constant 2 : i32
      %mul3A_83 = arith.muli %mul3A_82, %scan3A_81 : i32
      %add3A_84 = arith.constant 2 : i32
      %add3A_85 = arith.addi %mul3A_83, %add3A_84 : i32
      %dma_wait3A_86 = arith.constant 0 : i32
      %dma_wait3A_87 = tpu.memref_slice %arg7[%dma_wait3A_86] : memref<10000xi32, #tpu.memory_space<vmem>> -> memref<80xi32, #tpu.memory_space<vmem>>
      %dma_wait3A_88 = arith.constant 0 : i32
      %dma_wait3A_89 = arith.constant 0 : i32
      %dma_wait3A_90 = tpu.memref_slice %arg2[%dma_wait3A_88, %dma_wait3A_89] : memref<10000x128xf32, #tpu.memory_space<hbm>> -> memref<10000x128xf32, #tpu.memory_space<hbm>>
      tpu.wait_indirect_dma semaphore(%arg12 : memref<!tpu.dma_semaphore, #tpu.memory_space<semaphore_mem>>) src(%dma_wait3A_90 : memref<10000x128xf32, #tpu.memory_space<hbm>>) dst(%arg9 : memref<80x128xf32, #tpu.memory_space<vmem>>)
      %dma_start3A_91 = arith.constant 0 : i32
      %dma_start3A_92 = tpu.memref_slice %arg8[%add3A_85, %dma_start3A_91] : memref<125x80xi32, #tpu.memory_space<vmem>> -> memref<1x80xi32, #tpu.memory_space<vmem>>
      %dma_start3A_93 = tpu.memref_squeeze %dma_start3A_92 : memref<1x80xi32, #tpu.memory_space<vmem>> -> memref<80xi32, #tpu.memory_space<vmem>>
      %dma_start3A_94 = arith.constant 0 : i32
      %dma_start3A_95 = arith.constant 0 : i32
      %dma_start3A_96 = tpu.memref_slice %arg11[%dma_start3A_94, %dma_start3A_95] : memref<10240x128xf32, #tpu.memory_space<vmem_shared>> -> memref<10240x128xf32, #tpu.memory_space<vmem_shared>>
      tpu.enqueue_indirect_dma source(%arg9 : memref<80x128xf32, #tpu.memory_space<vmem>>) target(%dma_start3A_96 : memref<10240x128xf32, #tpu.memory_space<vmem_shared>>) offsets(%dma_start3A_93 : memref<80xi32, #tpu.memory_space<vmem>>) semaphore(%arg14 : memref<!tpu.dma_semaphore, #tpu.memory_space<semaphore_mem>>) {add = true}
      %dma_wait3A_97 = arith.constant 0 : i32
      %dma_wait3A_98 = arith.constant 0 : i32
      %dma_wait3A_99 = tpu.memref_slice %arg8[%dma_wait3A_97, %dma_wait3A_98] : memref<125x80xi32, #tpu.memory_space<vmem>> -> memref<1x80xi32, #tpu.memory_space<vmem>>
      %dma_wait3A_100 = tpu.memref_squeeze %dma_wait3A_99 : memref<1x80xi32, #tpu.memory_space<vmem>> -> memref<80xi32, #tpu.memory_space<vmem>>
      %dma_wait3A_101 = arith.constant 0 : i32
      %dma_wait3A_102 = arith.constant 0 : i32
      %dma_wait3A_103 = tpu.memref_slice %arg11[%dma_wait3A_101, %dma_wait3A_102] : memref<10240x128xf32, #tpu.memory_space<vmem_shared>> -> memref<10240x128xf32, #tpu.memory_space<vmem_shared>>
      tpu.wait_indirect_dma semaphore(%arg15 : memref<!tpu.dma_semaphore, #tpu.memory_space<semaphore_mem>>) src(%arg10 : memref<80x128xf32, #tpu.memory_space<vmem>>) dst(%dma_wait3A_103 : memref<10240x128xf32, #tpu.memory_space<vmem_shared>>)
      %add3A_104 = arith.constant 1 : i32
      %add3A_105 = arith.addi %add3A_85, %add3A_104 : i32
      %mul3A_106 = arith.constant 80 : i32
      %mul3A_107 = arith.muli %add3A_105, %mul3A_106 : i32
      %dma_start3A_108 = tpu.memref_slice %arg7[%mul3A_107] : memref<10000xi32, #tpu.memory_space<vmem>> -> memref<80xi32, #tpu.memory_space<vmem>>
      %dma_start3A_109 = arith.constant 0 : i32
      %dma_start3A_110 = arith.constant 0 : i32
      %dma_start3A_111 = tpu.memref_slice %arg2[%dma_start3A_109, %dma_start3A_110] : memref<10000x128xf32, #tpu.memory_space<hbm>> -> memref<10000x128xf32, #tpu.memory_space<hbm>>
      tpu.enqueue_indirect_dma source(%dma_start3A_111 : memref<10000x128xf32, #tpu.memory_space<hbm>>) target(%arg10 : memref<80x128xf32, #tpu.memory_space<vmem>>) offsets(%dma_start3A_108 : memref<80xi32, #tpu.memory_space<vmem>>) semaphore(%arg13 : memref<!tpu.dma_semaphore, #tpu.memory_space<semaphore_mem>>)
      %mul3A_112 = arith.constant 2 : i32
      %mul3A_113 = arith.muli %mul3A_112, %scan3A_81 : i32
      %add3A_114 = arith.constant 3 : i32
      %add3A_115 = arith.addi %mul3A_113, %add3A_114 : i32
      %dma_wait3A_116 = arith.constant 0 : i32
      %dma_wait3A_117 = tpu.memref_slice %arg7[%dma_wait3A_116] : memref<10000xi32, #tpu.memory_space<vmem>> -> memref<80xi32, #tpu.memory_space<vmem>>
      %dma_wait3A_118 = arith.constant 0 : i32
      %dma_wait3A_119 = arith.constant 0 : i32
      %dma_wait3A_120 = tpu.memref_slice %arg2[%dma_wait3A_118, %dma_wait3A_119] : memref<10000x128xf32, #tpu.memory_space<hbm>> -> memref<10000x128xf32, #tpu.memory_space<hbm>>
      tpu.wait_indirect_dma semaphore(%arg13 : memref<!tpu.dma_semaphore, #tpu.memory_space<semaphore_mem>>) src(%dma_wait3A_120 : memref<10000x128xf32, #tpu.memory_space<hbm>>) dst(%arg10 : memref<80x128xf32, #tpu.memory_space<vmem>>)
      %dma_start3A_121 = arith.constant 0 : i32
      %dma_start3A_122 = tpu.memref_slice %arg8[%add3A_115, %dma_start3A_121] : memref<125x80xi32, #tpu.memory_space<vmem>> -> memref<1x80xi32, #tpu.memory_space<vmem>>
      %dma_start3A_123 = tpu.memref_squeeze %dma_start3A_122 : memref<1x80xi32, #tpu.memory_space<vmem>> -> memref<80xi32, #tpu.memory_space<vmem>>
      %dma_start3A_124 = arith.constant 0 : i32
      %dma_start3A_125 = arith.constant 0 : i32
      %dma_start3A_126 = tpu.memref_slice %arg11[%dma_start3A_124, %dma_start3A_125] : memref<10240x128xf32, #tpu.memory_space<vmem_shared>> -> memref<10240x128xf32, #tpu.memory_space<vmem_shared>>
      tpu.enqueue_indirect_dma source(%arg10 : memref<80x128xf32, #tpu.memory_space<vmem>>) target(%dma_start3A_126 : memref<10240x128xf32, #tpu.memory_space<vmem_shared>>) offsets(%dma_start3A_123 : memref<80xi32, #tpu.memory_space<vmem>>) semaphore(%arg15 : memref<!tpu.dma_semaphore, #tpu.memory_space<semaphore_mem>>) {add = true}
      %dma_wait3A_127 = arith.constant 0 : i32
      %dma_wait3A_128 = arith.constant 0 : i32
      %dma_wait3A_129 = tpu.memref_slice %arg8[%dma_wait3A_127, %dma_wait3A_128] : memref<125x80xi32, #tpu.memory_space<vmem>> -> memref<1x80xi32, #tpu.memory_space<vmem>>
      %dma_wait3A_130 = tpu.memref_squeeze %dma_wait3A_129 : memref<1x80xi32, #tpu.memory_space<vmem>> -> memref<80xi32, #tpu.memory_space<vmem>>
      %dma_wait3A_131 = arith.constant 0 : i32
      %dma_wait3A_132 = arith.constant 0 : i32
      %dma_wait3A_133 = tpu.memref_slice %arg11[%dma_wait3A_131, %dma_wait3A_132] : memref<10240x128xf32, #tpu.memory_space<vmem_shared>> -> memref<10240x128xf32, #tpu.memory_space<vmem_shared>>
      tpu.wait_indirect_dma semaphore(%arg14 : memref<!tpu.dma_semaphore, #tpu.memory_space<semaphore_mem>>) src(%arg9 : memref<80x128xf32, #tpu.memory_space<vmem>>) dst(%dma_wait3A_133 : memref<10240x128xf32, #tpu.memory_space<vmem_shared>>)
      %add3A_134 = arith.constant 1 : i32
      %add3A_135 = arith.addi %add3A_115, %add3A_134 : i32
      %mul3A_136 = arith.constant 80 : i32
      %mul3A_137 = arith.muli %add3A_135, %mul3A_136 : i32
      %dma_start3A_138 = tpu.memref_slice %arg7[%mul3A_137] : memref<10000xi32, #tpu.memory_space<vmem>> -> memref<80xi32, #tpu.memory_space<vmem>>
      %dma_start3A_139 = arith.constant 0 : i32
      %dma_start3A_140 = arith.constant 0 : i32
      %dma_start3A_141 = tpu.memref_slice %arg2[%dma_start3A_139, %dma_start3A_140] : memref<10000x128xf32, #tpu.memory_space<hbm>> -> memref<10000x128xf32, #tpu.memory_space<hbm>>
      tpu.enqueue_indirect_dma source(%dma_start3A_141 : memref<10000x128xf32, #tpu.memory_space<hbm>>) target(%arg9 : memref<80x128xf32, #tpu.memory_space<vmem>>) offsets(%dma_start3A_138 : memref<80xi32, #tpu.memory_space<vmem>>) semaphore(%arg12 : memref<!tpu.dma_semaphore, #tpu.memory_space<semaphore_mem>>)
    }
    %scan3A_53 = arith.constant 61 : i32
    %dma_wait3A_54 = arith.constant 0 : i32
    %dma_wait3A_55 = tpu.memref_slice %arg7[%dma_wait3A_54] : memref<10000xi32, #tpu.memory_space<vmem>> -> memref<80xi32, #tpu.memory_space<vmem>>
    %dma_wait3A_56 = arith.constant 0 : i32
    %dma_wait3A_57 = arith.constant 0 : i32
    %dma_wait3A_58 = tpu.memref_slice %arg2[%dma_wait3A_56, %dma_wait3A_57] : memref<10000x128xf32, #tpu.memory_space<hbm>> -> memref<10000x128xf32, #tpu.memory_space<hbm>>
    tpu.wait_indirect_dma semaphore(%arg12 : memref<!tpu.dma_semaphore, #tpu.memory_space<semaphore_mem>>) src(%dma_wait3A_58 : memref<10000x128xf32, #tpu.memory_space<hbm>>) dst(%arg9 : memref<80x128xf32, #tpu.memory_space<vmem>>)
    %dma_start3A_59 = arith.constant 124 : i32
    %dma_start3A_60 = arith.constant 0 : i32
    %dma_start3A_61 = tpu.memref_slice %arg8[%dma_start3A_59, %dma_start3A_60] : memref<125x80xi32, #tpu.memory_space<vmem>> -> memref<1x80xi32, #tpu.memory_space<vmem>>
    %dma_start3A_62 = tpu.memref_squeeze %dma_start3A_61 : memref<1x80xi32, #tpu.memory_space<vmem>> -> memref<80xi32, #tpu.memory_space<vmem>>
    %dma_start3A_63 = arith.constant 0 : i32
    %dma_start3A_64 = arith.constant 0 : i32
    %dma_start3A_65 = tpu.memref_slice %arg11[%dma_start3A_63, %dma_start3A_64] : memref<10240x128xf32, #tpu.memory_space<vmem_shared>> -> memref<10240x128xf32, #tpu.memory_space<vmem_shared>>
    tpu.enqueue_indirect_dma source(%arg9 : memref<80x128xf32, #tpu.memory_space<vmem>>) target(%dma_start3A_65 : memref<10240x128xf32, #tpu.memory_space<vmem_shared>>) offsets(%dma_start3A_62 : memref<80xi32, #tpu.memory_space<vmem>>) semaphore(%arg14 : memref<!tpu.dma_semaphore, #tpu.memory_space<semaphore_mem>>) {add = true}
    %dma_wait3A_66 = arith.constant 0 : i32
    %dma_wait3A_67 = arith.constant 0 : i32
    %dma_wait3A_68 = tpu.memref_slice %arg8[%dma_wait3A_66, %dma_wait3A_67] : memref<125x80xi32, #tpu.memory_space<vmem>> -> memref<1x80xi32, #tpu.memory_space<vmem>>
    %dma_wait3A_69 = tpu.memref_squeeze %dma_wait3A_68 : memref<1x80xi32, #tpu.memory_space<vmem>> -> memref<80xi32, #tpu.memory_space<vmem>>
    %dma_wait3A_70 = arith.constant 0 : i32
    %dma_wait3A_71 = arith.constant 0 : i32
    %dma_wait3A_72 = tpu.memref_slice %arg11[%dma_wait3A_70, %dma_wait3A_71] : memref<10240x128xf32, #tpu.memory_space<vmem_shared>> -> memref<10240x128xf32, #tpu.memory_space<vmem_shared>>
    tpu.wait_indirect_dma semaphore(%arg15 : memref<!tpu.dma_semaphore, #tpu.memory_space<semaphore_mem>>) src(%arg10 : memref<80x128xf32, #tpu.memory_space<vmem>>) dst(%dma_wait3A_72 : memref<10240x128xf32, #tpu.memory_space<vmem_shared>>)
    %dma_wait3A_73 = arith.constant 0 : i32
    %dma_wait3A_74 = arith.constant 0 : i32
    %dma_wait3A_75 = tpu.memref_slice %arg8[%dma_wait3A_73, %dma_wait3A_74] : memref<125x80xi32, #tpu.memory_space<vmem>> -> memref<1x80xi32, #tpu.memory_space<vmem>>
    %dma_wait3A_76 = tpu.memref_squeeze %dma_wait3A_75 : memref<1x80xi32, #tpu.memory_space<vmem>> -> memref<80xi32, #tpu.memory_space<vmem>>
    %dma_wait3A_77 = arith.constant 0 : i32
    %dma_wait3A_78 = arith.constant 0 : i32
    %dma_wait3A_79 = tpu.memref_slice %arg11[%dma_wait3A_77, %dma_wait3A_78] : memref<10240x128xf32, #tpu.memory_space<vmem_shared>> -> memref<10240x128xf32, #tpu.memory_space<vmem_shared>>
    tpu.wait_indirect_dma semaphore(%arg14 : memref<!tpu.dma_semaphore, #tpu.memory_space<semaphore_mem>>) src(%arg9 : memref<80x128xf32, #tpu.memory_space<vmem>>) dst(%dma_wait3A_79 : memref<10240x128xf32, #tpu.memory_space<vmem_shared>>)
    %barrier3A_80 = arith.constant 0 : index
    tpu.barrier barrier_id(%barrier3A_80)
    "tpu.region"() ({
      %run_scoped3A = tpu.sem_alloc : memref<!tpu.dma_semaphore, #tpu.memory_space<semaphore_mem>>
      %dma_start3A_81 = arith.constant 0 : i32
      %dma_start3A_82 = tpu.memref_slice %arg6[%arg0, %mul3A_4, %dma_start3A_81] : memref<2x10240x128xf32, #tpu.memory_space<hbm>> -> memref<1x640x128xf32, #tpu.memory_space<hbm>>
      %dma_start3A_83 = tpu.memref_squeeze %dma_start3A_82 : memref<1x640x128xf32, #tpu.memory_space<hbm>> -> memref<640x128xf32, #tpu.memory_space<hbm>>
      %dma_start3A_84 = arith.constant 0 : i32
      %dma_start3A_85 = tpu.memref_slice %arg11[%mul3A_4, %dma_start3A_84] : memref<10240x128xf32, #tpu.memory_space<vmem_shared>> -> memref<640x128xf32, #tpu.memory_space<vmem_shared>>
      tpu.enqueue_dma source(%dma_start3A_85 : memref<640x128xf32, #tpu.memory_space<vmem_shared>>) target(%dma_start3A_83 : memref<640x128xf32, #tpu.memory_space<hbm>>) target_semaphore(%run_scoped3A : memref<!tpu.dma_semaphore, #tpu.memory_space<semaphore_mem>>)
      %dma_wait3A_86 = arith.constant 0 : i32
      %dma_wait3A_87 = tpu.memref_slice %arg6[%arg0, %mul3A_4, %dma_wait3A_86] : memref<2x10240x128xf32, #tpu.memory_space<hbm>> -> memref<1x640x128xf32, #tpu.memory_space<hbm>>
      %dma_wait3A_88 = tpu.memref_squeeze %dma_wait3A_87 : memref<1x640x128xf32, #tpu.memory_space<hbm>> -> memref<640x128xf32, #tpu.memory_space<hbm>>
      %dma_wait3A_89 = arith.constant 0 : i32
      %dma_wait3A_90 = tpu.memref_slice %arg11[%mul3A_4, %dma_wait3A_89] : memref<10240x128xf32, #tpu.memory_space<vmem_shared>> -> memref<640x128xf32, #tpu.memory_space<vmem_shared>>
      tpu.wait_dma2 semaphore(%run_scoped3A : memref<!tpu.dma_semaphore, #tpu.memory_space<semaphore_mem>>) src(%dma_wait3A_90 : memref<640x128xf32, #tpu.memory_space<vmem_shared>>) dst(%dma_wait3A_88 : memref<640x128xf32, #tpu.memory_space<hbm>>)
      tpu.yield
    }) : () -> ()
    return
  }
}

module attributes {stable_mosaic.version = 14 : i64} {
  func.func @_y1_body(%arg0: i32, %arg1: memref<2x1000x16xf32, #tpu.memory_space<vmem>>, %arg2: memref<1000x128xf32, #tpu.memory_space<vmem>>, %arg3: memref<128x128xf32, #tpu.memory_space<vmem>>, %arg4: memref<1000x16xf32, #tpu.memory_space<vmem>>, %arg5: memref<1000x128xf32, #tpu.memory_space<vmem>>) attributes {dimension_semantics = [#tpu.dimension_semantics<arbitrary>], iteration_bounds = array<i64: 10>, scalar_prefetch = 0 : i64, scratch_operands = 0 : i64, tpu.core_type = #tpu.core_type<tc>, window_params = [{transform_indices = @transform_0, window_bounds = array<i64: 2, 1000, 16>}, {transform_indices = @transform_1, window_bounds = array<i64: 1000, 128>}, {pipeline_mode = #tpu.pipeline_mode<synchronous>, transform_indices = @transform_2, window_bounds = array<i64: 128, 128>}, {transform_indices = @transform_3, window_bounds = array<i64: 1000, 16>}, {transform_indices = @transform_4, window_bounds = array<i64: 1000, 128>}]} {
    %get3A = arith.constant 0 : index
    %get3A_0 = arith.constant 0 : index
    %get3A_1 = arith.constant 0 : index
    %get3A_2 = vector.load %arg1[%get3A, %get3A_0, %get3A_1] : memref<2x1000x16xf32, #tpu.memory_space<vmem>>, vector<1x1000x16xf32>
    %get3A_3 = vector.shape_cast %get3A_2 : vector<1x1000x16xf32> to vector<1000x16xf32>
    %slice3A = vector.extract_strided_slice %get3A_3 {offsets = [0, 0], sizes = [1000, 1], strides = [1, 1]} : vector<1000x16xf32> to vector<1000x1xf32>
    %get3A_4 = arith.constant 1 : index
    %get3A_5 = arith.constant 0 : index
    %get3A_6 = arith.constant 0 : index
    %get3A_7 = vector.load %arg1[%get3A_4, %get3A_5, %get3A_6] : memref<2x1000x16xf32, #tpu.memory_space<vmem>>, vector<1x1000x16xf32>
    %get3A_8 = vector.shape_cast %get3A_7 : vector<1x1000x16xf32> to vector<1000x16xf32>
    %slice3A_9 = vector.extract_strided_slice %get3A_8 {offsets = [0, 0], sizes = [1000, 1], strides = [1, 1]} : vector<1000x16xf32> to vector<1000x1xf32>
    %add3A = arith.addf %slice3A, %slice3A_9 : vector<1000x1xf32>
    %add3A_10 = arith.constant 1.000000e+00 : f32
    %add3A_11 = vector.broadcast %add3A_10 : f32 to vector<1000x1xf32>
    %add3A_12 = arith.addf %add3A, %add3A_11 : vector<1000x1xf32>
    %jit3A = arith.constant 1.000000e+00 : f32
    %max3A = vector.broadcast %jit3A : f32 to vector<1000x1xf32>
    %max3A_13 = arith.maximumf %max3A, %add3A_12 : vector<1000x1xf32>
    %rsqrt3A = math.rsqrt %max3A_13 : vector<1000x1xf32>
    %broadcast_in_dim3A = vector.shape_cast %rsqrt3A : vector<1000x1xf32> to vector<1000x1xf32>
    %broadcast_in_dim3A_14 = vector.broadcast %broadcast_in_dim3A : vector<1000x1xf32> to vector<1000x16xf32>
    %swap3A = arith.constant 0 : index
    %swap3A_15 = arith.constant 0 : index
    %swap3A_16 = vector.load %arg4[%swap3A, %swap3A_15] : memref<1000x16xf32, #tpu.memory_space<vmem>>, vector<1000x16xf32>
    tpu.vector_store %arg4[%swap3A, %swap3A_15], %broadcast_in_dim3A_14 {strides = array<i32>} : memref<1000x16xf32, #tpu.memory_space<vmem>>, vector<1000x16xf32>,
    %get3A_17 = arith.constant 0 : index
    %get3A_18 = arith.constant 0 : index
    %get3A_19 = vector.load %arg2[%get3A_17, %get3A_18] : memref<1000x128xf32, #tpu.memory_space<vmem>>, vector<1000x128xf32>
    %get3A_20 = arith.constant 0 : index
    %get3A_21 = arith.constant 0 : index
    %get3A_22 = vector.load %arg3[%get3A_20, %get3A_21] : memref<128x128xf32, #tpu.memory_space<vmem>>, vector<128x128xf32>
    %dot_general3A = arith.constant dense<0.000000e+00> : vector<1000x128xf32>
    %dot_general3A_23 = tpu.matmul %get3A_19, %get3A_22, %dot_general3A {dimension_numbers = #tpu.dot_dimension_numbers<[1], [0], [0], [1], [0, 0, 1, 1], [], []>, transpose_lhs_hint = false} : vector<1000x128xf32>, vector<128x128xf32>, vector<1000x128xf32> -> vector<1000x128xf32>
    %mul3A = vector.broadcast %rsqrt3A : vector<1000x1xf32> to vector<1000x128xf32>
    %mul3A_24 = arith.mulf %dot_general3A_23, %mul3A : vector<1000x128xf32>
    %swap3A_25 = arith.constant 0 : index
    %swap3A_26 = arith.constant 0 : index
    %swap3A_27 = vector.load %arg5[%swap3A_25, %swap3A_26] : memref<1000x128xf32, #tpu.memory_space<vmem>>, vector<1000x128xf32>
    tpu.vector_store %arg5[%swap3A_25, %swap3A_26], %mul3A_24 {strides = array<i32>} : memref<1000x128xf32, #tpu.memory_space<vmem>>, vector<1000x128xf32>,
    return
  }
  func.func @transform_0(%arg0: i32) -> (i32, i32, i32) {
    %c0_i32 = arith.constant 0 : i32
    %c0_i32_0 = arith.constant 0 : i32
    %c0_i32_1 = arith.constant 0 : i32
    return %c0_i32, %arg0, %c0_i32_0 : i32, i32, i32
  }
  func.func @transform_1(%arg0: i32) -> (i32, i32) {
    %c0_i32 = arith.constant 0 : i32
    %c0_i32_0 = arith.constant 0 : i32
    return %arg0, %c0_i32 : i32, i32
  }
  func.func @transform_2(%arg0: i32) -> (i32, i32) {
    %c0_i32 = arith.constant 0 : i32
    %c0_i32_0 = arith.constant 0 : i32
    %c0_i32_1 = arith.constant 0 : i32
    return %c0_i32, %c0_i32_0 : i32, i32
  }
  func.func @transform_3(%arg0: i32) -> (i32, i32) {
    %c0_i32 = arith.constant 0 : i32
    %c0_i32_0 = arith.constant 0 : i32
    return %arg0, %c0_i32 : i32, i32
  }
  func.func @transform_4(%arg0: i32) -> (i32, i32) {
    %c0_i32 = arith.constant 0 : i32
    %c0_i32_0 = arith.constant 0 : i32
    return %arg0, %c0_i32 : i32, i32
  }
}

module attributes {stable_mosaic.version = 14 : i64} {
  func.func @_layer2_body(%arg0: i32, %arg1: memref<2x1000x128xf32, #tpu.memory_space<vmem>>, %arg2: memref<1000x128xf32, #tpu.memory_space<vmem>>, %arg3: memref<1000x16xf32, #tpu.memory_space<vmem>>, %arg4: memref<1x128xf32, #tpu.memory_space<vmem>>, %arg5: memref<128x48xf32, #tpu.memory_space<vmem>>, %arg6: memref<1000x48xf32, #tpu.memory_space<vmem>>) attributes {dimension_semantics = [#tpu.dimension_semantics<arbitrary>], iteration_bounds = array<i64: 10>, scalar_prefetch = 0 : i64, scratch_operands = 0 : i64, tpu.core_type = #tpu.core_type<tc>, window_params = [{transform_indices = @transform_0, window_bounds = array<i64: 2, 1000, 128>}, {transform_indices = @transform_1, window_bounds = array<i64: 1000, 128>}, {transform_indices = @transform_2, window_bounds = array<i64: 1000, 16>}, {pipeline_mode = #tpu.pipeline_mode<synchronous>, transform_indices = @transform_3, window_bounds = array<i64: 1, 128>}, {pipeline_mode = #tpu.pipeline_mode<synchronous>, transform_indices = @transform_4, window_bounds = array<i64: 128, 48>}, {transform_indices = @transform_5, window_bounds = array<i64: 1000, 48>}]} {
    %get3A = arith.constant 0 : index
    %get3A_0 = arith.constant 0 : index
    %get3A_1 = vector.load %arg3[%get3A, %get3A_0] : memref<1000x16xf32, #tpu.memory_space<vmem>>, vector<1000x1xf32>
    %get3A_2 = arith.constant 0 : index
    %get3A_3 = arith.constant 0 : index
    %get3A_4 = arith.constant 0 : index
    %get3A_5 = vector.load %arg1[%get3A_2, %get3A_3, %get3A_4] : memref<2x1000x128xf32, #tpu.memory_space<vmem>>, vector<1x1000x128xf32>
    %get3A_6 = vector.shape_cast %get3A_5 : vector<1x1000x128xf32> to vector<1000x128xf32>
    %get3A_7 = arith.constant 1 : index
    %get3A_8 = arith.constant 0 : index
    %get3A_9 = arith.constant 0 : index
    %get3A_10 = vector.load %arg1[%get3A_7, %get3A_8, %get3A_9] : memref<2x1000x128xf32, #tpu.memory_space<vmem>>, vector<1x1000x128xf32>
    %get3A_11 = vector.shape_cast %get3A_10 : vector<1x1000x128xf32> to vector<1000x128xf32>
    %add3A = arith.addf %get3A_6, %get3A_11 : vector<1000x128xf32>
    %get3A_12 = arith.constant 0 : index
    %get3A_13 = arith.constant 0 : index
    %get3A_14 = vector.load %arg2[%get3A_12, %get3A_13] : memref<1000x128xf32, #tpu.memory_space<vmem>>, vector<1000x128xf32>
    %add3A_15 = arith.addf %add3A, %get3A_14 : vector<1000x128xf32>
    %mul3A = vector.broadcast %get3A_1 : vector<1000x1xf32> to vector<1000x128xf32>
    %mul3A_16 = arith.mulf %add3A_15, %mul3A : vector<1000x128xf32>
    %get3A_17 = arith.constant 0 : index
    %get3A_18 = arith.constant 0 : index
    %get3A_19 = vector.load %arg4[%get3A_17, %get3A_18] : memref<1x128xf32, #tpu.memory_space<vmem>>, vector<1x128xf32>
    %add3A_20 = vector.broadcast %get3A_19 : vector<1x128xf32> to vector<1000x128xf32>
    %add3A_21 = arith.addf %mul3A_16, %add3A_20 : vector<1000x128xf32>
    %max3A = arith.constant 0.000000e+00 : f32
    %max3A_22 = vector.broadcast %max3A : f32 to vector<1000x128xf32>
    %max3A_23 = arith.maximumf %add3A_21, %max3A_22 : vector<1000x128xf32>
    %get3A_24 = arith.constant 0 : index
    %get3A_25 = arith.constant 0 : index
    %get3A_26 = vector.load %arg5[%get3A_24, %get3A_25] : memref<128x48xf32, #tpu.memory_space<vmem>>, vector<128x48xf32>
    %dot_general3A = arith.constant dense<0.000000e+00> : vector<1000x48xf32>
    %dot_general3A_27 = tpu.matmul %max3A_23, %get3A_26, %dot_general3A {dimension_numbers = #tpu.dot_dimension_numbers<[1], [0], [0], [1], [0, 0, 1, 1], [], []>, transpose_lhs_hint = false} : vector<1000x128xf32>, vector<128x48xf32>, vector<1000x48xf32> -> vector<1000x48xf32>
    %mul3A_28 = vector.broadcast %get3A_1 : vector<1000x1xf32> to vector<1000x48xf32>
    %mul3A_29 = arith.mulf %dot_general3A_27, %mul3A_28 : vector<1000x48xf32>
    %swap3A = arith.constant 0 : index
    %swap3A_30 = arith.constant 0 : index
    %swap3A_31 = vector.load %arg6[%swap3A, %swap3A_30] : memref<1000x48xf32, #tpu.memory_space<vmem>>, vector<1000x48xf32>
    tpu.vector_store %arg6[%swap3A, %swap3A_30], %mul3A_29 {strides = array<i32>} : memref<1000x48xf32, #tpu.memory_space<vmem>>, vector<1000x48xf32>,
    return
  }
  func.func @transform_0(%arg0: i32) -> (i32, i32, i32) {
    %c0_i32 = arith.constant 0 : i32
    %c0_i32_0 = arith.constant 0 : i32
    %c0_i32_1 = arith.constant 0 : i32
    return %c0_i32, %arg0, %c0_i32_0 : i32, i32, i32
  }
  func.func @transform_1(%arg0: i32) -> (i32, i32) {
    %c0_i32 = arith.constant 0 : i32
    %c0_i32_0 = arith.constant 0 : i32
    return %arg0, %c0_i32 : i32, i32
  }
  func.func @transform_2(%arg0: i32) -> (i32, i32) {
    %c0_i32 = arith.constant 0 : i32
    %c0_i32_0 = arith.constant 0 : i32
    return %arg0, %c0_i32 : i32, i32
  }
  func.func @transform_3(%arg0: i32) -> (i32, i32) {
    %c0_i32 = arith.constant 0 : i32
    %c0_i32_0 = arith.constant 0 : i32
    %c0_i32_1 = arith.constant 0 : i32
    return %c0_i32, %c0_i32_0 : i32, i32
  }
  func.func @transform_4(%arg0: i32) -> (i32, i32) {
    %c0_i32 = arith.constant 0 : i32
    %c0_i32_0 = arith.constant 0 : i32
    %c0_i32_1 = arith.constant 0 : i32
    return %c0_i32, %c0_i32_0 : i32, i32
  }
  func.func @transform_5(%arg0: i32) -> (i32, i32) {
    %c0_i32 = arith.constant 0 : i32
    %c0_i32_0 = arith.constant 0 : i32
    return %arg0, %c0_i32 : i32, i32
  }
}

module attributes {stable_mosaic.version = 14 : i64} {
  func.func @_epilogue_body(%arg0: i32, %arg1: memref<2x1000x48xf32, #tpu.memory_space<vmem>>, %arg2: memref<1000x48xf32, #tpu.memory_space<vmem>>, %arg3: memref<1000x16xf32, #tpu.memory_space<vmem>>, %arg4: memref<1x48xf32, #tpu.memory_space<vmem>>, %arg5: memref<1000x48xf32, #tpu.memory_space<vmem>>) attributes {dimension_semantics = [#tpu.dimension_semantics<arbitrary>], iteration_bounds = array<i64: 10>, scalar_prefetch = 0 : i64, scratch_operands = 0 : i64, tpu.core_type = #tpu.core_type<tc>, window_params = [{transform_indices = @transform_0, window_bounds = array<i64: 2, 1000, 48>}, {transform_indices = @transform_1, window_bounds = array<i64: 1000, 48>}, {transform_indices = @transform_2, window_bounds = array<i64: 1000, 16>}, {pipeline_mode = #tpu.pipeline_mode<synchronous>, transform_indices = @transform_3, window_bounds = array<i64: 1, 48>}, {transform_indices = @transform_4, window_bounds = array<i64: 1000, 48>}]} {
    %get3A = arith.constant 0 : index
    %get3A_0 = arith.constant 0 : index
    %get3A_1 = vector.load %arg3[%get3A, %get3A_0] : memref<1000x16xf32, #tpu.memory_space<vmem>>, vector<1000x1xf32>
    %get3A_2 = arith.constant 0 : index
    %get3A_3 = arith.constant 0 : index
    %get3A_4 = arith.constant 0 : index
    %get3A_5 = vector.load %arg1[%get3A_2, %get3A_3, %get3A_4] : memref<2x1000x48xf32, #tpu.memory_space<vmem>>, vector<1x1000x48xf32>
    %get3A_6 = vector.shape_cast %get3A_5 : vector<1x1000x48xf32> to vector<1000x48xf32>
    %get3A_7 = arith.constant 1 : index
    %get3A_8 = arith.constant 0 : index
    %get3A_9 = arith.constant 0 : index
    %get3A_10 = vector.load %arg1[%get3A_7, %get3A_8, %get3A_9] : memref<2x1000x48xf32, #tpu.memory_space<vmem>>, vector<1x1000x48xf32>
    %get3A_11 = vector.shape_cast %get3A_10 : vector<1x1000x48xf32> to vector<1000x48xf32>
    %add3A = arith.addf %get3A_6, %get3A_11 : vector<1000x48xf32>
    %get3A_12 = arith.constant 0 : index
    %get3A_13 = arith.constant 0 : index
    %get3A_14 = vector.load %arg2[%get3A_12, %get3A_13] : memref<1000x48xf32, #tpu.memory_space<vmem>>, vector<1000x48xf32>
    %add3A_15 = arith.addf %add3A, %get3A_14 : vector<1000x48xf32>
    %mul3A = vector.broadcast %get3A_1 : vector<1000x1xf32> to vector<1000x48xf32>
    %mul3A_16 = arith.mulf %add3A_15, %mul3A : vector<1000x48xf32>
    %get3A_17 = arith.constant 0 : index
    %get3A_18 = arith.constant 0 : index
    %get3A_19 = vector.load %arg4[%get3A_17, %get3A_18] : memref<1x48xf32, #tpu.memory_space<vmem>>, vector<1x48xf32>
    %add3A_20 = vector.broadcast %get3A_19 : vector<1x48xf32> to vector<1000x48xf32>
    %add3A_21 = arith.addf %mul3A_16, %add3A_20 : vector<1000x48xf32>
    %swap3A = arith.constant 0 : index
    %swap3A_22 = arith.constant 0 : index
    %swap3A_23 = vector.load %arg5[%swap3A, %swap3A_22] : memref<1000x48xf32, #tpu.memory_space<vmem>>, vector<1000x48xf32>
    tpu.vector_store %arg5[%swap3A, %swap3A_22], %add3A_21 {strides = array<i32>} : memref<1000x48xf32, #tpu.memory_space<vmem>>, vector<1000x48xf32>,
    return
  }
  func.func @transform_0(%arg0: i32) -> (i32, i32, i32) {
    %c0_i32 = arith.constant 0 : i32
    %c0_i32_0 = arith.constant 0 : i32
    %c0_i32_1 = arith.constant 0 : i32
    return %c0_i32, %arg0, %c0_i32_0 : i32, i32, i32
  }
  func.func @transform_1(%arg0: i32) -> (i32, i32) {
    %c0_i32 = arith.constant 0 : i32
    %c0_i32_0 = arith.constant 0 : i32
    return %arg0, %c0_i32 : i32, i32
  }
  func.func @transform_2(%arg0: i32) -> (i32, i32) {
    %c0_i32 = arith.constant 0 : i32
    %c0_i32_0 = arith.constant 0 : i32
    return %arg0, %c0_i32 : i32, i32
  }
  func.func @transform_3(%arg0: i32) -> (i32, i32) {
    %c0_i32 = arith.constant 0 : i32
    %c0_i32_0 = arith.constant 0 : i32
    %c0_i32_1 = arith.constant 0 : i32
    return %c0_i32, %c0_i32_0 : i32, i32
  }
  func.func @transform_4(%arg0: i32) -> (i32, i32) {
    %c0_i32 = arith.constant 0 : i32
    %c0_i32_0 = arith.constant 0 : i32
    return %arg0, %c0_i32 : i32, i32
  }
}

</mosaic_0001>

<sc_bundles>
// kernel: kernel.11.cloned.1.call-start
scs
__scs_entry_jumppad:
0x0: {  	(pc) =	sbr.rel $0x88, $3  }
0x1: {  	(tag) =	ssettag $0x0;
	lr =	simm.s32 $0x1  }
0x2: {  	[smem:$0x3F9B] =	sst lr;
	_ =	strace $0xD0000000  }
0x3: {  	_ = 	snop  }
0x4: {  	_ = 	snop  }
0x5: {  	_ = 	snop  }
0x6: {  	_ = 	snop  }
0x7: {  	_ = 	snop  }
__scs_overlays_trampoline_lowered:
0x8: {  	[smem:$0x3FAA] =	sst s0  }
0x9: {  	[smem:$0x3FAB] =	sst s1  }
0xa: {  	[smem:$0x3FAC] =	sst s2  }
0xb: {  	[smem:$0x3FAD] =	sst s3  }
0xc: {  	[smem:$0x3FAE] =	sst s4  }
0xd: {  	[smem:$0x3FAF] =	sst s5  }
0xe: {  	[smem:$0x3FB0] =	sst s6  }
0xf: {  	[smem:$0x3FB1] =	sst s7  }
0x10: {  	[smem:$0x3FB2] =	sst s8  }
0x11: {  	[smem:$0x3FB3] =	sst s9;
	s0 =	simm.s32 @!p0 $0x0  }
0x12: {  	s1 =	sld [smem:$0x3F99];
	s0 =	simm.s32 @p0 $0x1  }
0x13: {  	[smem:$0x3FB4] =	sst s0;
	s0 =	simm.s32 @!p1 $0x0  }
0x14: {  	s2 =	sld [smem:$0x3F98];
	s0 =	simm.s32 @p1 $0x1  }
0x15: {  	[smem:$0x3FB5] =	sst s0;
	s0 =	simm.s32 @!p2 $0x0  }
0x16: {  	s3 =	sld [smem:$0x3FDB];
	s0 =	simm.s32 @p2 $0x1  }
0x17: {  	s4 =	simm.s32 $0x1BF5;
	[smem:$0x3FB7] =	sst s0  }
0x18: {  	s0 =	sld [smem:$0x3F9A];
	_ =	swait.ge [sflag:s4], $0x0  }
0x19: {  	s7 =	sld [smem:$0x3F9B]  }
0x1a: {  	s8 =	sadd.s32 $0xFFFFE003, lr  }
0x1b: {  	s9 =	sadd.s32 $0xFFFFFEF7, lr;
	s5 =	simm.s32 $0xFFFFFFFF;
	p2 =	slt.u32 s8, $0xFFFFF086  }
0x1c: {  	p1 =	slt.u32 s9, $0xF7A;
	s5 =	simm.s32 @!p2 $0x0  }
0x1d: {  	s5 =	simm.s32 @p1 $0x1;
	p0 =	seq.s32 s7, s2  }
0x1e: {  	s7 =	smul.u32 @!p0 $0xF7A, s2;
	p2 =	seq.s32 @!p0 s5, $0x0  }
0x1f: {  	s9 =	smul.u32 $0xF7A, s1;
	s8 =	simm.s32 @!p0 $0x1BF5;
	p2 =	por !p2, p0  }
0x20: {  	[sflag:s8] =	ssyncset.s32 @!p0 $0xFFFFF086;
	s6 =	sadd.s32 @!p0 s3, s7;
	s7 =	simm.s32 @!p0 $0x108  }
0x21: {  	s3 =	sadd.s32 s3, s9;
	s6 =	sadd.s32 @!p0 $0x88, s6;
	s7 =	simm.s32 @p2 $0x1082  }
0x22: {  	[simem:s7], [sflag:s8] =	dma.local @!p0 [hbm:s6], $0xF7A  }
0x23: {  	s9 =	sor.u32 $0xD0000000, s2;
	s6 =	simm.s32 $0x108;
	_ =	swait.ge @!p0 [sflag:s8], $0x0  }
0x24: {  	s3 =	sadd.s32 $0x88, s3;
	s6 =	simm.s32 @!p1 $0x1082;
	[sflag:s4] =	ssyncset.s32 $0xFFFFF086  }
0x25: {  	[simem:s6], [sflag:s4] =	dma.local [hbm:s3], $0xF7A  }
0x26: {  	[smem:$0x3F9B] =	sst s1;
	(tag) =	ssettag s2;
	_ =	strace s9  }
0x27: {  	s1 =	sld [smem:$0x3FAB]  }
0x28: {  	s2 =	sld [smem:$0x3FAC]  }
0x29: {  	s4 =	sld [smem:$0x3FAE]  }
0x2a: {  	p0 =	seq.s32 s5, $0x0;
	s5 =	sld [smem:$0x3FAF]  }
0x2b: {  	s6 =	sld [smem:$0x3FB0]  }
0x2c: {  	s7 =	sld [smem:$0x3FB1]  }
0x2d: {  	s3 =	simm.s32 $0x108;
	s8 =	sld [smem:$0x3FB2]  }
0x2e: {  	s3 =	simm.s32 @!p0 $0x1082;
	s9 =	sld [smem:$0x3FB3]  }
0x2f: {  	lr =	sadd.s32 s0, s3;
	s0 =	sld [smem:$0x3FAA]  }
0x30: {  	s3 =	sld [smem:$0x3FAD]  }
0x31: {  	[smem:$0x3FB6] =	sst s10  }
0x32: {  	s10 =	sld [smem:$0x3FB4];
	_ =	sdelay $0x3  }
0x33: {  	p0 =	seq.s32 s10, $0x1;
	s10 =	sld [smem:$0x3FB6];
	_ =	sdelay $0x3  }
0x34: {  	[smem:$0x3FB6] =	sst s10  }
0x35: {  	s10 =	sld [smem:$0x3FB5];
	_ =	sdelay $0x3  }
0x36: {  	p1 =	seq.s32 s10, $0x1;
	s10 =	sld [smem:$0x3FB6];
	_ =	sdelay $0x3  }
0x37: {  	[smem:$0x3FB6] =	sst s10  }
0x38: {  	s10 =	sld [smem:$0x3FB7]  }
0x39: {  	_ = 	snop;
	(pc) =	sbr.ind lr, $3  }
0x3a: {  	_ = 	snop  }
0x3b: {  	_ = 	snop  }
0x3c: {  	p2 =	seq.s32 s10, $0x1;
	s10 =	sld [smem:$0x3FB6]  }
0x3d: {  	_ =	shalt  }
0x3e: {  	_ =	shalt  }
0x3f: {  	_ =	shalt  }
0x40: {  	_ =	shalt  }
0x41: {  	_ =	shalt  }
0x42: {  	_ =	shalt  }
0x43: {  	_ =	shalt  }
0x44: {  	_ =	shalt  }
0x45: {  	_ =	shalt  }
0x46: {  	_ =	shalt  }
0x47: {  	_ =	shalt  }
0x48: {  	_ =	shalt  }
0x49: {  	_ =	shalt  }
0x4a: {  	_ =	shalt  }
0x4b: {  	_ =	shalt  }
0x4c: {  	_ =	shalt  }
0x4d: {  	_ =	shalt  }
0x4e: {  	_ =	shalt  }
0x4f: {  	_ =	shalt  }
0x50: {  	_ =	shalt  }
0x51: {  	_ =	shalt  }
0x52: {  	_ =	shalt  }
0x53: {  	_ =	shalt  }
0x54: {  	_ =	shalt  }
0x55: {  	_ =	shalt  }
0x56: {  	_ =	shalt  }
0x57: {  	_ =	shalt  }
0x58: {  	_ =	shalt  }
0x59: {  	_ =	shalt  }
0x5a: {  	_ =	shalt  }
0x5b: {  	_ =	shalt  }
0x5c: {  	_ =	shalt  }
0x5d: {  	_ =	shalt  }
0x5e: {  	_ =	shalt  }
0x5f: {  	_ =	shalt  }
0x60: {  	_ =	shalt  }
0x61: {  	_ =	shalt  }
0x62: {  	_ =	shalt  }
0x63: {  	_ =	shalt  }
0x64: {  	_ =	shalt  }
0x65: {  	_ =	shalt  }
0x66: {  	_ =	shalt  }
0x67: {  	_ =	shalt  }
0x68: {  	_ =	shalt  }
0x69: {  	_ =	shalt  }
0x6a: {  	_ =	shalt  }
0x6b: {  	_ =	shalt  }
0x6c: {  	_ =	shalt  }
0x6d: {  	_ =	shalt  }
0x6e: {  	_ =	shalt  }
0x6f: {  	_ =	shalt  }
0x70: {  	_ =	shalt  }
0x71: {  	_ =	shalt  }
0x72: {  	_ =	shalt  }
0x73: {  	_ =	shalt  }
0x74: {  	_ =	shalt  }
0x75: {  	_ =	shalt  }
0x76: {  	_ =	shalt  }
0x77: {  	_ =	shalt  }
0x78: {  	_ =	shalt  }
0x79: {  	_ =	shalt  }
0x7a: {  	_ =	shalt  }
0x7b: {  	_ =	shalt  }
0x7c: {  	_ =	shalt  }
0x7d: {  	_ =	shalt  }
0x7e: {  	_ =	shalt  }
0x7f: {  	_ =	shalt  }
0x80: {  	_ =	shalt  }
0x81: {  	_ =	shalt  }
0x82: {  	_ =	shalt  }
0x83: {  	_ =	shalt  }
0x84: {  	_ =	shalt  }
0x85: {  	_ =	shalt  }
0x86: {  	_ =	shalt  }
0x87: {  	_ =	shalt  }
.Lfunc_end0:
.L_simem_size_0:
called_computation.1_lowered:
.L_overlay_start_0:
0x88: {  	s2 =	sld [smem:$0x3FD9]  }
0x89: {  	s3 =	sld [smem:$0x3FFE];
	_ =	sdelay $0x1  }
0x8a: {  	s1 =	srdreg.scid  }
0x8b: {  	s0 =	sand.u32 $0x1, s1  }
0x8c: {  	s16 =	sshll.u32 s0, $0xA;
	s2 =	sadd.s32 s3, s2  }
0x8d: {  	s2 =	sadd.s32 s2, s16  }
0x8e: {  	[smem:$0x3FC2] =	sst s2  }
0x8f: {  	_ = 	snop  }
0x90: {  	(tm) =	ssettm $0x1  }
0x91: {  	s17 =	sld [smem:$0x3FFB];
	_ =	sdelay $0x3  }
0x92: {  	_ =	strace s17  }
0x93: {  	s2 =	sld [smem:$0x3FFC];
	_ =	sdelay $0x3  }
0x94: {  	_ =	strace s2  }
0x95: {  	s2 =	sld [smem:$0x3FFD];
	_ =	sdelay $0x3  }
0x96: {  	_ =	strace s2  }
0x97: {  	_ =	strace $0x8FFFFFFF  }
0x98: {  	s18 =	sld [smem:$0x3FDB];
	_ =	sdelay $0x1  }
0x99: {  	s19 =	simm.s32 $_scs_section_size  }
0x9a: {  	s4 =	simm.s32 $_size__tile_overlayer_lowered;
	s5 =	simm.s32 $_tile_overlayer_lowered  }
0x9b: {  	s22 =	simm.s32 $0x1BFF;
	s21 =	sshll.u32 s5, $0x1;
	s2 =	sadd.s32 s19, s18  }
0x9c: {  	s6 =	simm.s32 $0x0;
	s20 =	sshll.u32 s4, $0x1;
	s4 =	sadd.s32 s21, s2  }
0x9d: {  	[timem:s6], [sflag:s22] =	dma.local [hbm:s4], s20  }
0x9e: {  	_ =	swait.ge [sflag:s22], s20  }
0x9f: {  	s3 =	ssub.s32 $0x0, s20;
	[sflag:s22] =	ssyncset.done $0x0  }
0xa0: {  	[sflag:s22] =	ssyncadd.s32 s3;
	_ =	sdelay $0x1  }
0xa1: {  	s23 =	simm.s32 $0x1B8B  }
0xa2: {  	_ =	swait.ge [sflag:s23], $0x1  }
0xa3: {  	[sflag:s23] =	ssyncset.done $0x0  }
0xa4: {  	s25 =	simm.s32 $0x1B8E;
	s24 =	sld [smem:$0x3FFE];
	[sflag:s23] =	ssyncadd.s32 $0xFFFFFFFF  }
0xa5: {  	s26 =	simm.s32 $execute0_lowered;
	[smem:$0x3FD2] =	sst s25  }
0xa6: {  	s4 =	sshll.u32 s26, $0x1;
	_ =	strace $0x80000049;
	[dreg:$0x1] =	wrdreg $0xFFFFFFFF  }
0xa7: {  	s28 =	simm.s32 $_size_execute0_lowered;
	s2 =	sadd.s32 s2, s4;
	[dreg:$0x0] =	wrdreg $0x0  }
0xa8: {  	s4 =	sshll.u32 s28, $0x1;
	[dreg:$0x2] =	wrdreg s2  }
0xa9: {  	[dreg:$0x3] =	wrdreg s4  }
0xaa: {  	[dreg:$0x4] =	wrdreg $0xC0  }
0xab: {  	_ =	task [dreg:s6], $0x5FFFF  }
0xac: {  	[dreg:$0x1] =	wrdreg $0xFFFFFFFF  }
0xad: {  	[dreg:$0x0] =	wrdreg $0x60  }
0xae: {  	[dreg:$0x2] =	wrdreg s24  }
0xaf: {  	[dreg:$0x3] =	wrdreg $0x9E200  }
0xb0: {  	[dreg:$0x4] =	wrdreg $0x9  }
0xb1: {  	_ =	task.clear_ibuf [dreg:s6], $0x5FFFF;
	_ =	strace $0x90000049  }
0xb2: {  	s29 =	simm.s32 $0x9;
	_ =	strace $0x8000004B  }
0xb3: {  	_ =	swait.ge [sflag:s29], $0x1  }
0xb4: {  	[sflag:s29] =	ssyncadd.s32 $0xFFFFFFFF  }
0xb5: {  	_ =	strace $0x9000004B  }
0xb6: {  	_ =	sfence  }
0xb7: {  	s30 =	sld [smem:$0x0];
	_ =	sdelay $0x2  }
0xb8: {  	s31 =	sshll.u32 s1, $0xD;
	s1 =	sshrl.u32 s1, $0x2  }
0xb9: {  	s3 =	sand.u32 $0x4000, s31;
	s1 =	sadd.s32 s1, s30  }
0xba: {  	s0 =	sor.u32 s3, s0;
	s1 =	sshll.u32 s1, $0x11  }
0xbb: {  	s0 =	sor.u32 s1, s0  }
0xbc: {  	s0 =	sadd.s32 $0x8F2B, s0  }
0xbd: {  	[sflag:s0] =	ssyncadd.remote.s32 $0x1  }
0xbe: {  	_ =	sfence.sel $0xFFFF  }
0xbf: {  	[dreg:$0x0] =	wrdreg $0xFFFFFFFF;
	(pc) =	sbr.abs _section_cstart, $3  }
0xc0: {  	[dreg:$0x1] =	wrdreg $0xFFFFFFFF  }
0xc1: {  	_ =	task.clear_ibuf [dreg:s6], $0x2FFFF;
	_ =	strace $0x9FFFFFFF  }
0xc2: {  	(tm) =	ssettm $0x7FFFFFFF  }
0xc3: {  	_ =	shalt  }
tec
execute0_lowered:
.L_overlay_start_1:
0x0: {  	(tag) =	ssettag $0x1  }
0x1: {  	s6 =	rddreg [dreg:$0x0]  }
0x2: {  	s0 =	srdreg.scid;
	s2 =	rddreg [dreg:$0x1];
	s3 =	simm.s32 $0x0  }
0x3: {  	s12 =	simm.s32 $0x50;
	s13 =	simm.s32 $0x4E20;
	s16 =	simm.s32 $0x1  }
0x4: {  	s17 =	simm.s32 $0x7620;
	s18 =	simm.s32 $0x2;
	s19 =	simm.s32 $0x2760  }
0x5: {  	s20 =	simm.s32 $0x3;
	s21 =	simm.s32 $0xA0;
	s22 =	simm.s32 $0x4  }
0x6: {  	s23 =	simm.s32 $0x4DD0;
	s5 =	sand.u32 $0x1, s0;
	s0 =	stileid.u32  }
0x7: {  	s24 =	simm.s32 $0x0;
	[smem:$0x7FF] =	sst s3;
	s8 =	smul.u32 $0x14000, s0  }
0x8: {  	s4 =	sadd.s32 $0x15600, s6;
	s1 =	sshll.u32 s5, $0x4;
	s9 =	smul.u32 $0x140000, s5  }
0x9: {  	s5 =	ssub.s32 $0x2, s5;
	s14 =	sshll.u32 s0, $0x6;
	s1 =	sor.u32 s0, s1  }
0xa: {  	s11 =	sshrl.u32 s5, $0x1;
	s14 =	sor.u32 $0x1C05, s14;
	s7 =	smul.u32 $0x4E2, s1  }
0xb: {  	s1 =	rddreg [dreg:$0x2];
	_ =	strace $0x8000004A;
	s10 =	sshrl.u32 s8, $0x3  }
0xc: {  	s9 =	sadd.s32 s8, s9;
	s11 =	ssub.s32 s5, s11;
	s15 =	sadd.s32 s8, s2  }
0xd: {  	s10 =	sadd.s32 s10, s6;
	s9 =	sshrl.u32 s9, $0x3;
	s7 =	sadd.s32 s7, s6  }
0xe: {  	s15 =	sshrl.u32 s15, $0x3;
	s9 =	sadd.s32 s9, s6;
	s5 =	sadd.s32 $0x1A00, s7  }
0xf: {  	s6 =	sadd.s32 $0xB800, s7;
	s7 =	sadd.s32 $0x3C800, s10;
	s8 =	sadd.s32 $0x64800, s9  }
0x10: {  	s9 =	smax.u32 s11, $0x1;
	s10 =	simm.s32 $0x5;
	s11 =	simm.s32 $0x2710  }
.LBB2_1:
0x11: {  	[tilespmem:s3], [sflag:$0x5] =	stream.linear.gather [hbm4b:s5+s3], $0x2710, $0x38;
	[tilespmem:$0x1DE20] =	vst v63  }
0x12: {  	_ =	swait.ge [sflag:s10], $0x2710  }
0x13: {  	[sflag:s10] =	ssyncset.done $0x0  }
0x14: {  	[sflag:s10] =	ssyncadd.s32 $0xFFFFD8F0  }
0x15: {  	[tilespmem:s11], [sflag:$0x5] =	stream.linear.gather [hbm4b:s6+s3], $0x2710, $0x38;
	[tilespmem:$0x1DE20] =	vst v63  }
0x16: {  	_ =	swait.ge [sflag:s10], $0x2710  }
0x17: {  	[sflag:s10] =	ssyncset.done $0x0  }
0x18: {  	[sflag:s10] =	ssyncadd.s32 $0xFFFFD8F0  }
0x19: {  	[tilespmem:s13], [sflag:$0x1] =	stream.indirect.gather [hbm4b:s4+s12], $0x80, s3, s12, $0xb8;
	[tilespmem:$0x1DE20] =	vst v63  }
0x1a: {  	[spmem:s15], [sflag:s14] =	dma.local [hbm:s7], $0x2800  }
0x1b: {  	_ =	swait.ge [sflag:s10], $0x2800  }
0x1c: {  	[sflag:s10] =	ssyncset.done $0x0  }
0x1d: {  	[sflag:s10] =	ssyncadd.s32 $0xFFFFD800  }
0x1e: {  	[bflag:$0x0] =	sbarrier.arrive $0xFFFF  }
0x1f: {  	_ =	swait.ge [sflag:s16], $0x2800  }
0x20: {  	[sflag:s16] =	ssyncset.done $0x0  }
0x21: {  	[sflag:s16] =	ssyncadd.s32 $0xFFFFD800  }
0x22: {  	[spmem:s2] =	stream.indirect.scatter.add.f32 [tilespmem:s13], [sflag:$0x3], $0x80, s11, s12, $0xb8;
	[tilespmem:$0x1DE20] =	vst v63  }
0x23: {  	_ = 	snop  }
0x24: {  	[tilespmem:s17], [sflag:$0x2] =	stream.indirect.gather [hbm4b:s4+s12], $0x80, s12, s12, $0xb8;
	[tilespmem:$0x1DE20] =	vst v63  }
0x25: {  	_ =	swait.ge [sflag:s18], $0x2800  }
0x26: {  	[sflag:s18] =	ssyncset.done $0x0  }
0x27: {  	[sflag:s18] =	ssyncadd.s32 $0xFFFFD800  }
0x28: {  	[spmem:s2] =	stream.indirect.scatter.add.f32 [tilespmem:s17], [sflag:$0x4], $0x80, s19, s12, $0xb8;
	[tilespmem:$0x1DE20] =	vst v63  }
0x29: {  	_ =	swait.ge [sflag:s20], $0x2800  }
0x2a: {  	[sflag:s20] =	ssyncset.done $0x0  }
0x2b: {  	[sflag:s20] =	ssyncadd.s32 $0xFFFFD800  }
0x2c: {  	[tilespmem:s13], [sflag:$0x1] =	stream.indirect.gather [hbm4b:s4+s12], $0x80, s21, s12, $0xb8;
	[tilespmem:$0x1DE20] =	vst v63  }
0x2d: {  	_ =	swait.ge [sflag:s16], $0x2800  }
0x2e: {  	[sflag:s16] =	ssyncset.done $0x0  }
0x2f: {  	s25 =	simm.s32 $0x27B0;
	[sflag:s16] =	ssyncadd.s32 $0xFFFFD800  }
0x30: {  	[spmem:s2] =	stream.indirect.scatter.add.f32 [tilespmem:s13], [sflag:$0x3], $0x80, s25, s12, $0xb8;
	[tilespmem:$0x1DE20] =	vst v63  }
0x31: {  	_ =	swait.ge [sflag:s22], $0x2800  }
0x32: {  	[sflag:s22] =	ssyncset.done $0x0  }
0x33: {  	s30 =	simm.s32 $0xF0;
	[sflag:s22] =	ssyncadd.s32 $0xFFFFD800  }
0x34: {  	[tilespmem:s17], [sflag:$0x2] =	stream.indirect.gather [hbm4b:s4+s12], $0x80, s30, s12, $0xb8;
	[tilespmem:$0x1DE20] =	vst v63  }
0x35: {  	_ =	swait.ge [sflag:s18], $0x2800  }
0x36: {  	[sflag:s18] =	ssyncset.done $0x0  }
0x37: {  	s31 =	simm.s32 $0x2800;
	[sflag:s18] =	ssyncadd.s32 $0xFFFFD800  }
0x38: {  	[spmem:s2] =	stream.indirect.scatter.add.f32 [tilespmem:s17], [sflag:$0x4], $0x80, s31, s12, $0xb8;
	[tilespmem:$0x1DE20] =	vst v63  }
0x39: {  	_ =	swait.ge [sflag:s20], $0x2800  }
0x3a: {  	[sflag:s20] =	ssyncset.done $0x0  }
0x3b: {  	s26 =	simm.s32 $0x140;
	s25 =	simm.s32 $0xFFFF6A00;
	[sflag:s20] =	ssyncadd.s32 $0xFFFFD800  }
.LBB2_2:
0x3c: {  	[tilespmem:s13], [sflag:$0x1] =	stream.indirect.gather [hbm4b:s4+s12], $0x80, s26, s12, $0xb8;
	[tilespmem:$0x1DE20] =	vst v63  }
0x3d: {  	s26 =	smov.u32 s25  }
0x3e: {  	p0 =	sne.s32 s25, $0xFFFFFD80;
	s25 =	sadd.s32 $0x280, s25;
	_ =	swait.ge [sflag:s16], $0x2800  }
0x3f: {  	s26 =	sshra.s32 s26, $0x2;
	[sflag:s16] =	ssyncset.done $0x0  }
0x40: {  	s28 =	sadd.s32 $0x4DD0, s26;
	[sflag:s16] =	ssyncadd.s32 $0xFFFFD800  }
0x41: {  	[spmem:s2] =	stream.indirect.scatter.add.f32 [tilespmem:s13], [sflag:$0x3], $0x80, s28, s12, $0xb8;
	[tilespmem:$0x1DE20] =	vst v63  }
0x42: {  	_ =	swait.ge [sflag:s22], $0x2800  }
0x43: {  	[sflag:s22] =	ssyncset.done $0x0  }
0x44: {  	s28 =	sadd.s32 $0x2710, s26;
	[sflag:s22] =	ssyncadd.s32 $0xFFFFD800  }
0x45: {  	[tilespmem:s17], [sflag:$0x2] =	stream.indirect.gather [hbm4b:s4+s12], $0x80, s28, s12, $0xb8;
	[tilespmem:$0x1DE20] =	vst v63  }
0x46: {  	_ =	swait.ge [sflag:s18], $0x2800  }
0x47: {  	[sflag:s18] =	ssyncset.done $0x0  }
.Ltmp0:
0x48: {  	s28 =	sadd.s32 $0x4E20, s26;
	[sflag:s18] =	ssyncadd.s32 $0xFFFFD800;
	(pc) =	sbr.rel @p0 .LBB2_2-.Ltmp0, $4  }
0x49: {  	[spmem:s2] =	stream.indirect.scatter.add.f32 [tilespmem:s17], [sflag:$0x4], $0x80, s28, s12, $0xb8;
	[tilespmem:$0x1DE20] =	vst v63  }
0x4a: {  	_ =	swait.ge [sflag:s20], $0x2800  }
0x4b: {  	[sflag:s20] =	ssyncset.done $0x0  }
0x4c: {  	s26 =	sadd.s32 $0x2760, s26;
	[sflag:s20] =	ssyncadd.s32 $0xFFFFD800  }
0x4d: {  	[tilespmem:s13], [sflag:$0x1] =	stream.indirect.gather [hbm4b:s4+s12], $0x80, s26, s12, $0xb8;
	[tilespmem:$0x1DE20] =	vst v63  }
0x4e: {  	_ =	swait.ge [sflag:s16], $0x2800  }
0x4f: {  	[sflag:s16] =	ssyncset.done $0x0  }
0x50: {  	[sflag:s16] =	ssyncadd.s32 $0xFFFFD800  }
0x51: {  	[spmem:s2] =	stream.indirect.scatter.add.f32 [tilespmem:s13], [sflag:$0x3], $0x80, s23, s12, $0xb8;
	[tilespmem:$0x1DE20] =	vst v63  }
0x52: {  	_ =	swait.ge [sflag:s22], $0x2800  }
0x53: {  	[sflag:s22] =	ssyncset.done $0x0  }
0x54: {  	[sflag:s22] =	ssyncadd.s32 $0xFFFFD800  }
0x55: {  	_ =	swait.ge [sflag:s20], $0x2800  }
0x56: {  	s24 =	sadd.s32 $0x1, s24;
	[sflag:s20] =	ssyncset.done $0x0  }
0x57: {  	p0 =	sne.s32 s24, s9;
	[sflag:s20] =	ssyncadd.s32 $0xFFFFD800  }
.Ltmp1:
0x58: {  	[bflag:$0x0] =	sbarrier.arrive $0xFFFF;
	(pc) =	sbr.rel @p0 .LBB2_1-.Ltmp1, $4  }
0x59: {  	[hbm:s8], [sflag:s14] =	dma.local [spmem:s15], $0x2800  }
0x5a: {  	_ =	swait.ge [sflag:s10], $0x2800  }
0x5b: {  	[sflag:s10] =	ssyncset.done $0x0  }
0x5c: {  	[sflag:s10] =	ssyncadd.s32 $0xFFFFD800  }
0x5d: {  	_ =	sfence.sel $0x180000  }
0x5e: {  	[bflag:$0x0] =	sbarrier.arrive $0xFFFF  }
0x5f: {  	p0 =	sne.s32 s0, $0x0;
	_ =	strace $0x9000004A  }
0x60: {  	s0 =	sadd.s32 @!p0 $0x100000, s1;
	[bflag:$0x2] =	sbarrier.arrive $0xFFFF  }
0x61: {  	[sflag:s0] =	ssyncadd.tile.s32 @!p0 $0x1;
	_ =	shalt  }
.Lfunc_end2:
_tile_overlayer_lowered:
.L_overlay_start_2:
0x62: {  	(tag) =	ssettag $0x2  }
0x63: {  	s0 =	rddreg [dreg:$0x0];
	s2 =	stileid.u32  }
0x64: {  	s1 =	rddreg [dreg:$0x1];
	p0 =	sne.s32 s2, $0x0  }
0x65: {  	s3 =	rddreg [dreg:$0x2];
	[bflag:$0x3] =	sbarrier.arrive $0xFFFF;
	s2 =	simm.s32 @!p0 $0x1C05  }
0x66: {  	[timem:s3], [sflag:s2] =	dma.local @!p0 [hbm:s0], s1  }
0x67: {  	s0 =	simm.s32 @!p0 $0x5  }
0x68: {  	_ =	swait.ge @!p0 [sflag:s0], s1  }
0x69: {  	s1 =	ssub.s32 @!p0 $0x0, s1;
	[sflag:s0] =	ssyncset.done @!p0 $0x0  }
0x6a: {  	[sflag:s0] =	ssyncadd.s32 @!p0 s1  }
0x6b: {  	[bflag:$0x3] =	sbarrier.arrive $0xFFFF  }
0x6c: {  	_ =	shalt  }

// kernel: kernel.14.cloned.1.call-start
scs
__scs_entry_jumppad:
0x0: {  	(pc) =	sbr.rel $0x88, $3  }
0x1: {  	(tag) =	ssettag $0x0;
	lr =	simm.s32 $0x1  }
0x2: {  	[smem:$0x3F9B] =	sst lr;
	_ =	strace $0xD0000000  }
0x3: {  	_ = 	snop  }
0x4: {  	_ = 	snop  }
0x5: {  	_ = 	snop  }
0x6: {  	_ = 	snop  }
0x7: {  	_ = 	snop  }
__scs_overlays_trampoline_lowered:
0x8: {  	[smem:$0x3FAA] =	sst s0  }
0x9: {  	[smem:$0x3FAB] =	sst s1  }
0xa: {  	[smem:$0x3FAC] =	sst s2  }
0xb: {  	[smem:$0x3FAD] =	sst s3  }
0xc: {  	[smem:$0x3FAE] =	sst s4  }
0xd: {  	[smem:$0x3FAF] =	sst s5  }
0xe: {  	[smem:$0x3FB0] =	sst s6  }
0xf: {  	[smem:$0x3FB1] =	sst s7  }
0x10: {  	[smem:$0x3FB2] =	sst s8  }
0x11: {  	[smem:$0x3FB3] =	sst s9;
	s0 =	simm.s32 @!p0 $0x0  }
0x12: {  	s1 =	sld [smem:$0x3F99];
	s0 =	simm.s32 @p0 $0x1  }
0x13: {  	[smem:$0x3FB4] =	sst s0;
	s0 =	simm.s32 @!p1 $0x0  }
0x14: {  	s2 =	sld [smem:$0x3F98];
	s0 =	simm.s32 @p1 $0x1  }
0x15: {  	[smem:$0x3FB5] =	sst s0;
	s0 =	simm.s32 @!p2 $0x0  }
0x16: {  	s3 =	sld [smem:$0x3FDB];
	s0 =	simm.s32 @p2 $0x1  }
0x17: {  	s4 =	simm.s32 $0x1BF5;
	[smem:$0x3FB7] =	sst s0  }
0x18: {  	s0 =	sld [smem:$0x3F9A];
	_ =	swait.ge [sflag:s4], $0x0  }
0x19: {  	s7 =	sld [smem:$0x3F9B]  }
0x1a: {  	s8 =	sadd.s32 $0xFFFFE003, lr  }
0x1b: {  	s9 =	sadd.s32 $0xFFFFFEF7, lr;
	s5 =	simm.s32 $0xFFFFFFFF;
	p2 =	slt.u32 s8, $0xFFFFF086  }
0x1c: {  	p1 =	slt.u32 s9, $0xF7A;
	s5 =	simm.s32 @!p2 $0x0  }
0x1d: {  	s5 =	simm.s32 @p1 $0x1;
	p0 =	seq.s32 s7, s2  }
0x1e: {  	s7 =	smul.u32 @!p0 $0xF7A, s2;
	p2 =	seq.s32 @!p0 s5, $0x0  }
0x1f: {  	s9 =	smul.u32 $0xF7A, s1;
	s8 =	simm.s32 @!p0 $0x1BF5;
	p2 =	por !p2, p0  }
0x20: {  	[sflag:s8] =	ssyncset.s32 @!p0 $0xFFFFF086;
	s6 =	sadd.s32 @!p0 s3, s7;
	s7 =	simm.s32 @!p0 $0x108  }
0x21: {  	s3 =	sadd.s32 s3, s9;
	s6 =	sadd.s32 @!p0 $0x88, s6;
	s7 =	simm.s32 @p2 $0x1082  }
0x22: {  	[simem:s7], [sflag:s8] =	dma.local @!p0 [hbm:s6], $0xF7A  }
0x23: {  	s9 =	sor.u32 $0xD0000000, s2;
	s6 =	simm.s32 $0x108;
	_ =	swait.ge @!p0 [sflag:s8], $0x0  }
0x24: {  	s3 =	sadd.s32 $0x88, s3;
	s6 =	simm.s32 @!p1 $0x1082;
	[sflag:s4] =	ssyncset.s32 $0xFFFFF086  }
0x25: {  	[simem:s6], [sflag:s4] =	dma.local [hbm:s3], $0xF7A  }
0x26: {  	[smem:$0x3F9B] =	sst s1;
	(tag) =	ssettag s2;
	_ =	strace s9  }
0x27: {  	s1 =	sld [smem:$0x3FAB]  }
0x28: {  	s2 =	sld [smem:$0x3FAC]  }
0x29: {  	s4 =	sld [smem:$0x3FAE]  }
0x2a: {  	p0 =	seq.s32 s5, $0x0;
	s5 =	sld [smem:$0x3FAF]  }
0x2b: {  	s6 =	sld [smem:$0x3FB0]  }
0x2c: {  	s7 =	sld [smem:$0x3FB1]  }
0x2d: {  	s3 =	simm.s32 $0x108;
	s8 =	sld [smem:$0x3FB2]  }
0x2e: {  	s3 =	simm.s32 @!p0 $0x1082;
	s9 =	sld [smem:$0x3FB3]  }
0x2f: {  	lr =	sadd.s32 s0, s3;
	s0 =	sld [smem:$0x3FAA]  }
0x30: {  	s3 =	sld [smem:$0x3FAD]  }
0x31: {  	[smem:$0x3FB6] =	sst s10  }
0x32: {  	s10 =	sld [smem:$0x3FB4];
	_ =	sdelay $0x3  }
0x33: {  	p0 =	seq.s32 s10, $0x1;
	s10 =	sld [smem:$0x3FB6];
	_ =	sdelay $0x3  }
0x34: {  	[smem:$0x3FB6] =	sst s10  }
0x35: {  	s10 =	sld [smem:$0x3FB5];
	_ =	sdelay $0x3  }
0x36: {  	p1 =	seq.s32 s10, $0x1;
	s10 =	sld [smem:$0x3FB6];
	_ =	sdelay $0x3  }
0x37: {  	[smem:$0x3FB6] =	sst s10  }
0x38: {  	s10 =	sld [smem:$0x3FB7]  }
0x39: {  	_ = 	snop;
	(pc) =	sbr.ind lr, $3  }
0x3a: {  	_ = 	snop  }
0x3b: {  	_ = 	snop  }
0x3c: {  	p2 =	seq.s32 s10, $0x1;
	s10 =	sld [smem:$0x3FB6]  }
0x3d: {  	_ =	shalt  }
0x3e: {  	_ =	shalt  }
0x3f: {  	_ =	shalt  }
0x40: {  	_ =	shalt  }
0x41: {  	_ =	shalt  }
0x42: {  	_ =	shalt  }
0x43: {  	_ =	shalt  }
0x44: {  	_ =	shalt  }
0x45: {  	_ =	shalt  }
0x46: {  	_ =	shalt  }
0x47: {  	_ =	shalt  }
0x48: {  	_ =	shalt  }
0x49: {  	_ =	shalt  }
0x4a: {  	_ =	shalt  }
0x4b: {  	_ =	shalt  }
0x4c: {  	_ =	shalt  }
0x4d: {  	_ =	shalt  }
0x4e: {  	_ =	shalt  }
0x4f: {  	_ =	shalt  }
0x50: {  	_ =	shalt  }
0x51: {  	_ =	shalt  }
0x52: {  	_ =	shalt  }
0x53: {  	_ =	shalt  }
0x54: {  	_ =	shalt  }
0x55: {  	_ =	shalt  }
0x56: {  	_ =	shalt  }
0x57: {  	_ =	shalt  }
0x58: {  	_ =	shalt  }
0x59: {  	_ =	shalt  }
0x5a: {  	_ =	shalt  }
0x5b: {  	_ =	shalt  }
0x5c: {  	_ =	shalt  }
0x5d: {  	_ =	shalt  }
0x5e: {  	_ =	shalt  }
0x5f: {  	_ =	shalt  }
0x60: {  	_ =	shalt  }
0x61: {  	_ =	shalt  }
0x62: {  	_ =	shalt  }
0x63: {  	_ =	shalt  }
0x64: {  	_ =	shalt  }
0x65: {  	_ =	shalt  }
0x66: {  	_ =	shalt  }
0x67: {  	_ =	shalt  }
0x68: {  	_ =	shalt  }
0x69: {  	_ =	shalt  }
0x6a: {  	_ =	shalt  }
0x6b: {  	_ =	shalt  }
0x6c: {  	_ =	shalt  }
0x6d: {  	_ =	shalt  }
0x6e: {  	_ =	shalt  }
0x6f: {  	_ =	shalt  }
0x70: {  	_ =	shalt  }
0x71: {  	_ =	shalt  }
0x72: {  	_ =	shalt  }
0x73: {  	_ =	shalt  }
0x74: {  	_ =	shalt  }
0x75: {  	_ =	shalt  }
0x76: {  	_ =	shalt  }
0x77: {  	_ =	shalt  }
0x78: {  	_ =	shalt  }
0x79: {  	_ =	shalt  }
0x7a: {  	_ =	shalt  }
0x7b: {  	_ =	shalt  }
0x7c: {  	_ =	shalt  }
0x7d: {  	_ =	shalt  }
0x7e: {  	_ =	shalt  }
0x7f: {  	_ =	shalt  }
0x80: {  	_ =	shalt  }
0x81: {  	_ =	shalt  }
0x82: {  	_ =	shalt  }
0x83: {  	_ =	shalt  }
0x84: {  	_ =	shalt  }
0x85: {  	_ =	shalt  }
0x86: {  	_ =	shalt  }
0x87: {  	_ =	shalt  }
.Lfunc_end0:
.L_simem_size_0:
called_computation.2_lowered:
.L_overlay_start_0:
0x88: {  	s2 =	sld [smem:$0x3FD9]  }
0x89: {  	s3 =	sld [smem:$0x3FFE];
	_ =	sdelay $0x1  }
0x8a: {  	s1 =	srdreg.scid  }
0x8b: {  	s0 =	sand.u32 $0x1, s1  }
0x8c: {  	s16 =	sshll.u32 s0, $0xA;
	s2 =	sadd.s32 s3, s2  }
0x8d: {  	s2 =	sadd.s32 s2, s16  }
0x8e: {  	[smem:$0x3FC2] =	sst s2  }
0x8f: {  	_ = 	snop  }
0x90: {  	(tm) =	ssettm $0x1  }
0x91: {  	s17 =	sld [smem:$0x3FFB];
	_ =	sdelay $0x3  }
0x92: {  	_ =	strace s17  }
0x93: {  	s2 =	sld [smem:$0x3FFC];
	_ =	sdelay $0x3  }
0x94: {  	_ =	strace s2  }
0x95: {  	s2 =	sld [smem:$0x3FFD];
	_ =	sdelay $0x3  }
0x96: {  	_ =	strace s2  }
0x97: {  	_ =	strace $0x8FFFFFFF  }
0x98: {  	s18 =	sld [smem:$0x3FDB];
	_ =	sdelay $0x1  }
0x99: {  	s19 =	simm.s32 $_scs_section_size  }
0x9a: {  	s4 =	simm.s32 $_size__tile_overlayer_lowered;
	s5 =	simm.s32 $_tile_overlayer_lowered  }
0x9b: {  	s22 =	simm.s32 $0x1BFF;
	s21 =	sshll.u32 s5, $0x1;
	s2 =	sadd.s32 s19, s18  }
0x9c: {  	s6 =	simm.s32 $0x0;
	s20 =	sshll.u32 s4, $0x1;
	s4 =	sadd.s32 s21, s2  }
0x9d: {  	[timem:s6], [sflag:s22] =	dma.local [hbm:s4], s20  }
0x9e: {  	_ =	swait.ge [sflag:s22], s20  }
0x9f: {  	s3 =	ssub.s32 $0x0, s20;
	[sflag:s22] =	ssyncset.done $0x0  }
0xa0: {  	[sflag:s22] =	ssyncadd.s32 s3;
	_ =	sdelay $0x1  }
0xa1: {  	s23 =	simm.s32 $0x1B8B  }
0xa2: {  	_ =	swait.ge [sflag:s23], $0x1  }
0xa3: {  	[sflag:s23] =	ssyncset.done $0x0  }
0xa4: {  	s25 =	simm.s32 $0x1B8E;
	s24 =	sld [smem:$0x3FFE];
	[sflag:s23] =	ssyncadd.s32 $0xFFFFFFFF  }
0xa5: {  	s26 =	simm.s32 $execute0_lowered;
	[smem:$0x3FD2] =	sst s25  }
0xa6: {  	s4 =	sshll.u32 s26, $0x1;
	_ =	strace $0x8000004C;
	[dreg:$0x1] =	wrdreg $0xFFFFFFFF  }
0xa7: {  	s28 =	simm.s32 $_size_execute0_lowered;
	s2 =	sadd.s32 s2, s4;
	[dreg:$0x0] =	wrdreg $0x0  }
0xa8: {  	s4 =	sshll.u32 s28, $0x1;
	[dreg:$0x2] =	wrdreg s2  }
0xa9: {  	[dreg:$0x3] =	wrdreg s4  }
0xaa: {  	[dreg:$0x4] =	wrdreg $0xC0  }
0xab: {  	_ =	task [dreg:s6], $0x5FFFF  }
0xac: {  	[dreg:$0x1] =	wrdreg $0xFFFFFFFF  }
0xad: {  	[dreg:$0x0] =	wrdreg $0x60  }
0xae: {  	[dreg:$0x2] =	wrdreg s24  }
0xaf: {  	[dreg:$0x3] =	wrdreg $0x6C200  }
0xb0: {  	[dreg:$0x4] =	wrdreg $0x9  }
0xb1: {  	_ =	task.clear_ibuf [dreg:s6], $0x5FFFF;
	_ =	strace $0x9000004C  }
0xb2: {  	s29 =	simm.s32 $0x9;
	_ =	strace $0x8000004E  }
0xb3: {  	_ =	swait.ge [sflag:s29], $0x1  }
0xb4: {  	[sflag:s29] =	ssyncadd.s32 $0xFFFFFFFF  }
0xb5: {  	_ =	strace $0x9000004E  }
0xb6: {  	_ =	sfence  }
0xb7: {  	s30 =	sld [smem:$0x0];
	_ =	sdelay $0x2  }
0xb8: {  	s31 =	sshll.u32 s1, $0xD;
	s1 =	sshrl.u32 s1, $0x2  }
0xb9: {  	s3 =	sand.u32 $0x4000, s31;
	s1 =	sadd.s32 s1, s30  }
0xba: {  	s0 =	sor.u32 s3, s0;
	s1 =	sshll.u32 s1, $0x11  }
0xbb: {  	s0 =	sor.u32 s1, s0  }
0xbc: {  	s0 =	sadd.s32 $0x8F2B, s0  }
0xbd: {  	[sflag:s0] =	ssyncadd.remote.s32 $0x1  }
0xbe: {  	_ =	sfence.sel $0xFFFF  }
0xbf: {  	[dreg:$0x0] =	wrdreg $0xFFFFFFFF;
	(pc) =	sbr.abs _section_cstart, $3  }
0xc0: {  	[dreg:$0x1] =	wrdreg $0xFFFFFFFF  }
0xc1: {  	_ =	task.clear_ibuf [dreg:s6], $0x2FFFF;
	_ =	strace $0x9FFFFFFF  }
0xc2: {  	(tm) =	ssettm $0x7FFFFFFF  }
0xc3: {  	_ =	shalt  }
tec
execute0_lowered:
.L_overlay_start_1:
0x0: {  	(tag) =	ssettag $0x1  }
0x1: {  	s6 =	rddreg [dreg:$0x0]  }
0x2: {  	s0 =	srdreg.scid;
	s2 =	rddreg [dreg:$0x1];
	s3 =	simm.s32 $0x0  }
0x3: {  	s12 =	simm.s32 $0x50;
	s13 =	simm.s32 $0x4E20;
	s16 =	simm.s32 $0x1  }
0x4: {  	s17 =	simm.s32 $0x5D20;
	s18 =	simm.s32 $0x2;
	s19 =	simm.s32 $0x2760  }
0x5: {  	s20 =	simm.s32 $0x3;
	s21 =	simm.s32 $0xA0;
	s22 =	simm.s32 $0x4  }
0x6: {  	s23 =	simm.s32 $0x4DD0;
	s5 =	sand.u32 $0x1, s0;
	s0 =	stileid.u32  }
0x7: {  	s24 =	simm.s32 $0x0;
	[smem:$0x7FF] =	sst s3;
	s8 =	smul.u32 $0x7800, s0  }
0x8: {  	s4 =	sadd.s32 $0x15600, s6;
	s1 =	sshll.u32 s5, $0x4;
	s9 =	smul.u32 $0x78000, s5  }
0x9: {  	s5 =	ssub.s32 $0x2, s5;
	s14 =	sshll.u32 s0, $0x6;
	s1 =	sor.u32 s0, s1  }
0xa: {  	s11 =	sshrl.u32 s5, $0x1;
	s14 =	sor.u32 $0x1C05, s14;
	s7 =	smul.u32 $0x4E2, s1  }
0xb: {  	s1 =	rddreg [dreg:$0x2];
	_ =	strace $0x8000004D;
	s10 =	sshrl.u32 s8, $0x3  }
0xc: {  	s9 =	sadd.s32 s8, s9;
	s11 =	ssub.s32 s5, s11;
	s15 =	sadd.s32 s8, s2  }
0xd: {  	s10 =	sadd.s32 s10, s6;
	s9 =	sshrl.u32 s9, $0x3;
	s7 =	sadd.s32 s7, s6  }
0xe: {  	s15 =	sshrl.u32 s15, $0x3;
	s9 =	sadd.s32 s9, s6;
	s5 =	sadd.s32 $0x1A00, s7  }
0xf: {  	s6 =	sadd.s32 $0xB800, s7;
	s7 =	sadd.s32 $0x24200, s10;
	s8 =	sadd.s32 $0x33200, s9  }
0x10: {  	s9 =	smax.u32 s11, $0x1;
	s10 =	simm.s32 $0x5;
	s11 =	simm.s32 $0x2710  }
.LBB2_1:
0x11: {  	[tilespmem:s3], [sflag:$0x5] =	stream.linear.gather [hbm4b:s5+s3], $0x2710, $0x38;
	[tilespmem:$0xE420] =	vst v63  }
0x12: {  	_ =	swait.ge [sflag:s10], $0x2710  }
0x13: {  	[sflag:s10] =	ssyncset.done $0x0  }
0x14: {  	[sflag:s10] =	ssyncadd.s32 $0xFFFFD8F0  }
0x15: {  	[tilespmem:s11], [sflag:$0x5] =	stream.linear.gather [hbm4b:s6+s3], $0x2710, $0x38;
	[tilespmem:$0xE420] =	vst v63  }
0x16: {  	_ =	swait.ge [sflag:s10], $0x2710  }
0x17: {  	[sflag:s10] =	ssyncset.done $0x0  }
0x18: {  	[sflag:s10] =	ssyncadd.s32 $0xFFFFD8F0  }
0x19: {  	[tilespmem:s13], [sflag:$0x1] =	stream.indirect.gather [hbm4b:s4+s12], $0x30, s3, s12, $0xb8;
	[tilespmem:$0xE420] =	vst v63  }
0x1a: {  	[spmem:s15], [sflag:s14] =	dma.local [hbm:s7], $0xF00  }
0x1b: {  	_ =	swait.ge [sflag:s10], $0xF00  }
0x1c: {  	[sflag:s10] =	ssyncset.done $0x0  }
0x1d: {  	[sflag:s10] =	ssyncadd.s32 $0xFFFFF100  }
0x1e: {  	[bflag:$0x0] =	sbarrier.arrive $0xFFFF  }
0x1f: {  	_ =	swait.ge [sflag:s16], $0xF00  }
0x20: {  	[sflag:s16] =	ssyncset.done $0x0  }
0x21: {  	[sflag:s16] =	ssyncadd.s32 $0xFFFFF100  }
0x22: {  	[spmem:s2] =	stream.indirect.scatter.add.f32 [tilespmem:s13], [sflag:$0x3], $0x30, s11, s12, $0xb8;
	[tilespmem:$0xE420] =	vst v63  }
0x23: {  	_ = 	snop  }
0x24: {  	[tilespmem:s17], [sflag:$0x2] =	stream.indirect.gather [hbm4b:s4+s12], $0x30, s12, s12, $0xb8;
	[tilespmem:$0xE420] =	vst v63  }
0x25: {  	_ =	swait.ge [sflag:s18], $0xF00  }
0x26: {  	[sflag:s18] =	ssyncset.done $0x0  }
0x27: {  	[sflag:s18] =	ssyncadd.s32 $0xFFFFF100  }
0x28: {  	[spmem:s2] =	stream.indirect.scatter.add.f32 [tilespmem:s17], [sflag:$0x4], $0x30, s19, s12, $0xb8;
	[tilespmem:$0xE420] =	vst v63  }
0x29: {  	_ =	swait.ge [sflag:s20], $0xF00  }
0x2a: {  	[sflag:s20] =	ssyncset.done $0x0  }
0x2b: {  	[sflag:s20] =	ssyncadd.s32 $0xFFFFF100  }
0x2c: {  	[tilespmem:s13], [sflag:$0x1] =	stream.indirect.gather [hbm4b:s4+s12], $0x30, s21, s12, $0xb8;
	[tilespmem:$0xE420] =	vst v63  }
0x2d: {  	_ =	swait.ge [sflag:s16], $0xF00  }
0x2e: {  	[sflag:s16] =	ssyncset.done $0x0  }
0x2f: {  	s25 =	simm.s32 $0x27B0;
	[sflag:s16] =	ssyncadd.s32 $0xFFFFF100  }
0x30: {  	[spmem:s2] =	stream.indirect.scatter.add.f32 [tilespmem:s13], [sflag:$0x3], $0x30, s25, s12, $0xb8;
	[tilespmem:$0xE420] =	vst v63  }
0x31: {  	_ =	swait.ge [sflag:s22], $0xF00  }
0x32: {  	[sflag:s22] =	ssyncset.done $0x0  }
0x33: {  	s30 =	simm.s32 $0xF0;
	[sflag:s22] =	ssyncadd.s32 $0xFFFFF100  }
0x34: {  	[tilespmem:s17], [sflag:$0x2] =	stream.indirect.gather [hbm4b:s4+s12], $0x30, s30, s12, $0xb8;
	[tilespmem:$0xE420] =	vst v63  }
0x35: {  	_ =	swait.ge [sflag:s18], $0xF00  }
0x36: {  	[sflag:s18] =	ssyncset.done $0x0  }
0x37: {  	s31 =	simm.s32 $0x2800;
	[sflag:s18] =	ssyncadd.s32 $0xFFFFF100  }
0x38: {  	[spmem:s2] =	stream.indirect.scatter.add.f32 [tilespmem:s17], [sflag:$0x4], $0x30, s31, s12, $0xb8;
	[tilespmem:$0xE420] =	vst v63  }
0x39: {  	_ =	swait.ge [sflag:s20], $0xF00  }
0x3a: {  	[sflag:s20] =	ssyncset.done $0x0  }
0x3b: {  	s26 =	simm.s32 $0x140;
	s25 =	simm.s32 $0xFFFF6A00;
	[sflag:s20] =	ssyncadd.s32 $0xFFFFF100  }
.LBB2_2:
0x3c: {  	[tilespmem:s13], [sflag:$0x1] =	stream.indirect.gather [hbm4b:s4+s12], $0x30, s26, s12, $0xb8;
	[tilespmem:$0xE420] =	vst v63  }
0x3d: {  	s26 =	smov.u32 s25  }
0x3e: {  	p0 =	sne.s32 s25, $0xFFFFFD80;
	s25 =	sadd.s32 $0x280, s25;
	_ =	swait.ge [sflag:s16], $0xF00  }
0x3f: {  	s26 =	sshra.s32 s26, $0x2;
	[sflag:s16] =	ssyncset.done $0x0  }
0x40: {  	s28 =	sadd.s32 $0x4DD0, s26;
	[sflag:s16] =	ssyncadd.s32 $0xFFFFF100  }
0x41: {  	[spmem:s2] =	stream.indirect.scatter.add.f32 [tilespmem:s13], [sflag:$0x3], $0x30, s28, s12, $0xb8;
	[tilespmem:$0xE420] =	vst v63  }
0x42: {  	_ =	swait.ge [sflag:s22], $0xF00  }
0x43: {  	[sflag:s22] =	ssyncset.done $0x0  }
0x44: {  	s28 =	sadd.s32 $0x2710, s26;
	[sflag:s22] =	ssyncadd.s32 $0xFFFFF100  }
0x45: {  	[tilespmem:s17], [sflag:$0x2] =	stream.indirect.gather [hbm4b:s4+s12], $0x30, s28, s12, $0xb8;
	[tilespmem:$0xE420] =	vst v63  }
0x46: {  	_ =	swait.ge [sflag:s18], $0xF00  }
0x47: {  	[sflag:s18] =	ssyncset.done $0x0  }
.Ltmp0:
0x48: {  	s28 =	sadd.s32 $0x4E20, s26;
	[sflag:s18] =	ssyncadd.s32 $0xFFFFF100;
	(pc) =	sbr.rel @p0 .LBB2_2-.Ltmp0, $4  }
0x49: {  	[spmem:s2] =	stream.indirect.scatter.add.f32 [tilespmem:s17], [sflag:$0x4], $0x30, s28, s12, $0xb8;
	[tilespmem:$0xE420] =	vst v63  }
0x4a: {  	_ =	swait.ge [sflag:s20], $0xF00  }
0x4b: {  	[sflag:s20] =	ssyncset.done $0x0  }
0x4c: {  	s26 =	sadd.s32 $0x2760, s26;
	[sflag:s20] =	ssyncadd.s32 $0xFFFFF100  }
0x4d: {  	[tilespmem:s13], [sflag:$0x1] =	stream.indirect.gather [hbm4b:s4+s12], $0x30, s26, s12, $0xb8;
	[tilespmem:$0xE420] =	vst v63  }
0x4e: {  	_ =	swait.ge [sflag:s16], $0xF00  }
0x4f: {  	[sflag:s16] =	ssyncset.done $0x0  }
0x50: {  	[sflag:s16] =	ssyncadd.s32 $0xFFFFF100  }
0x51: {  	[spmem:s2] =	stream.indirect.scatter.add.f32 [tilespmem:s13], [sflag:$0x3], $0x30, s23, s12, $0xb8;
	[tilespmem:$0xE420] =	vst v63  }
0x52: {  	_ =	swait.ge [sflag:s22], $0xF00  }
0x53: {  	[sflag:s22] =	ssyncset.done $0x0  }
0x54: {  	[sflag:s22] =	ssyncadd.s32 $0xFFFFF100  }
0x55: {  	_ =	swait.ge [sflag:s20], $0xF00  }
0x56: {  	s24 =	sadd.s32 $0x1, s24;
	[sflag:s20] =	ssyncset.done $0x0  }
0x57: {  	p0 =	sne.s32 s24, s9;
	[sflag:s20] =	ssyncadd.s32 $0xFFFFF100  }
.Ltmp1:
0x58: {  	[bflag:$0x0] =	sbarrier.arrive $0xFFFF;
	(pc) =	sbr.rel @p0 .LBB2_1-.Ltmp1, $4  }
0x59: {  	[hbm:s8], [sflag:s14] =	dma.local [spmem:s15], $0xF00  }
0x5a: {  	_ =	swait.ge [sflag:s10], $0xF00  }
0x5b: {  	[sflag:s10] =	ssyncset.done $0x0  }
0x5c: {  	[sflag:s10] =	ssyncadd.s32 $0xFFFFF100  }
0x5d: {  	_ =	sfence.sel $0x180000  }
0x5e: {  	[bflag:$0x0] =	sbarrier.arrive $0xFFFF  }
0x5f: {  	p0 =	sne.s32 s0, $0x0;
	_ =	strace $0x9000004D  }
0x60: {  	s0 =	sadd.s32 @!p0 $0x100000, s1;
	[bflag:$0x2] =	sbarrier.arrive $0xFFFF  }
0x61: {  	[sflag:s0] =	ssyncadd.tile.s32 @!p0 $0x1;
	_ =	shalt  }
.Lfunc_end2:
_tile_overlayer_lowered:
.L_overlay_start_2:
0x62: {  	(tag) =	ssettag $0x2  }
0x63: {  	s0 =	rddreg [dreg:$0x0];
	s2 =	stileid.u32  }
0x64: {  	s1 =	rddreg [dreg:$0x1];
	p0 =	sne.s32 s2, $0x0  }
0x65: {  	s3 =	rddreg [dreg:$0x2];
	[bflag:$0x3] =	sbarrier.arrive $0xFFFF;
	s2 =	simm.s32 @!p0 $0x1C05  }
0x66: {  	[timem:s3], [sflag:s2] =	dma.local @!p0 [hbm:s0], s1  }
0x67: {  	s0 =	simm.s32 @!p0 $0x5  }
0x68: {  	_ =	swait.ge @!p0 [sflag:s0], s1  }
0x69: {  	s1 =	ssub.s32 @!p0 $0x0, s1;
	[sflag:s0] =	ssyncset.done @!p0 $0x0  }
0x6a: {  	[sflag:s0] =	ssyncadd.s32 @!p0 s1  }
0x6b: {  	[bflag:$0x3] =	sbarrier.arrive $0xFFFF  }
0x6c: {  	_ =	shalt  }

// kernel: kernel.8.cloned.1.call-start
scs
__scs_entry_jumppad:
0x0: {  	(pc) =	sbr.rel $0x88, $3  }
0x1: {  	(tag) =	ssettag $0x0;
	lr =	simm.s32 $0x1  }
0x2: {  	[smem:$0x3F9B] =	sst lr;
	_ =	strace $0xD0000000  }
0x3: {  	_ = 	snop  }
0x4: {  	_ = 	snop  }
0x5: {  	_ = 	snop  }
0x6: {  	_ = 	snop  }
0x7: {  	_ = 	snop  }
__scs_overlays_trampoline_lowered:
0x8: {  	[smem:$0x3FAA] =	sst s0  }
0x9: {  	[smem:$0x3FAB] =	sst s1  }
0xa: {  	[smem:$0x3FAC] =	sst s2  }
0xb: {  	[smem:$0x3FAD] =	sst s3  }
0xc: {  	[smem:$0x3FAE] =	sst s4  }
0xd: {  	[smem:$0x3FAF] =	sst s5  }
0xe: {  	[smem:$0x3FB0] =	sst s6  }
0xf: {  	[smem:$0x3FB1] =	sst s7  }
0x10: {  	[smem:$0x3FB2] =	sst s8  }
0x11: {  	[smem:$0x3FB3] =	sst s9;
	s0 =	simm.s32 @!p0 $0x0  }
0x12: {  	s1 =	sld [smem:$0x3F99];
	s0 =	simm.s32 @p0 $0x1  }
0x13: {  	[smem:$0x3FB4] =	sst s0;
	s0 =	simm.s32 @!p1 $0x0  }
0x14: {  	s2 =	sld [smem:$0x3F98];
	s0 =	simm.s32 @p1 $0x1  }
0x15: {  	[smem:$0x3FB5] =	sst s0;
	s0 =	simm.s32 @!p2 $0x0  }
0x16: {  	s3 =	sld [smem:$0x3FDB];
	s0 =	simm.s32 @p2 $0x1  }
0x17: {  	s4 =	simm.s32 $0x1BF5;
	[smem:$0x3FB7] =	sst s0  }
0x18: {  	s0 =	sld [smem:$0x3F9A];
	_ =	swait.ge [sflag:s4], $0x0  }
0x19: {  	s7 =	sld [smem:$0x3F9B]  }
0x1a: {  	s8 =	sadd.s32 $0xFFFFE003, lr  }
0x1b: {  	s9 =	sadd.s32 $0xFFFFFEF7, lr;
	s5 =	simm.s32 $0xFFFFFFFF;
	p2 =	slt.u32 s8, $0xFFFFF086  }
0x1c: {  	p1 =	slt.u32 s9, $0xF7A;
	s5 =	simm.s32 @!p2 $0x0  }
0x1d: {  	s5 =	simm.s32 @p1 $0x1;
	p0 =	seq.s32 s7, s2  }
0x1e: {  	s7 =	smul.u32 @!p0 $0xF7A, s2;
	p2 =	seq.s32 @!p0 s5, $0x0  }
0x1f: {  	s9 =	smul.u32 $0xF7A, s1;
	s8 =	simm.s32 @!p0 $0x1BF5;
	p2 =	por !p2, p0  }
0x20: {  	[sflag:s8] =	ssyncset.s32 @!p0 $0xFFFFF086;
	s6 =	sadd.s32 @!p0 s3, s7;
	s7 =	simm.s32 @!p0 $0x108  }
0x21: {  	s3 =	sadd.s32 s3, s9;
	s6 =	sadd.s32 @!p0 $0x88, s6;
	s7 =	simm.s32 @p2 $0x1082  }
0x22: {  	[simem:s7], [sflag:s8] =	dma.local @!p0 [hbm:s6], $0xF7A  }
0x23: {  	s9 =	sor.u32 $0xD0000000, s2;
	s6 =	simm.s32 $0x108;
	_ =	swait.ge @!p0 [sflag:s8], $0x0  }
0x24: {  	s3 =	sadd.s32 $0x88, s3;
	s6 =	simm.s32 @!p1 $0x1082;
	[sflag:s4] =	ssyncset.s32 $0xFFFFF086  }
0x25: {  	[simem:s6], [sflag:s4] =	dma.local [hbm:s3], $0xF7A  }
0x26: {  	[smem:$0x3F9B] =	sst s1;
	(tag) =	ssettag s2;
	_ =	strace s9  }
0x27: {  	s1 =	sld [smem:$0x3FAB]  }
0x28: {  	s2 =	sld [smem:$0x3FAC]  }
0x29: {  	s4 =	sld [smem:$0x3FAE]  }
0x2a: {  	p0 =	seq.s32 s5, $0x0;
	s5 =	sld [smem:$0x3FAF]  }
0x2b: {  	s6 =	sld [smem:$0x3FB0]  }
0x2c: {  	s7 =	sld [smem:$0x3FB1]  }
0x2d: {  	s3 =	simm.s32 $0x108;
	s8 =	sld [smem:$0x3FB2]  }
0x2e: {  	s3 =	simm.s32 @!p0 $0x1082;
	s9 =	sld [smem:$0x3FB3]  }
0x2f: {  	lr =	sadd.s32 s0, s3;
	s0 =	sld [smem:$0x3FAA]  }
0x30: {  	s3 =	sld [smem:$0x3FAD]  }
0x31: {  	[smem:$0x3FB6] =	sst s10  }
0x32: {  	s10 =	sld [smem:$0x3FB4];
	_ =	sdelay $0x3  }
0x33: {  	p0 =	seq.s32 s10, $0x1;
	s10 =	sld [smem:$0x3FB6];
	_ =	sdelay $0x3  }
0x34: {  	[smem:$0x3FB6] =	sst s10  }
0x35: {  	s10 =	sld [smem:$0x3FB5];
	_ =	sdelay $0x3  }
0x36: {  	p1 =	seq.s32 s10, $0x1;
	s10 =	sld [smem:$0x3FB6];
	_ =	sdelay $0x3  }
0x37: {  	[smem:$0x3FB6] =	sst s10  }
0x38: {  	s10 =	sld [smem:$0x3FB7]  }
0x39: {  	_ = 	snop;
	(pc) =	sbr.ind lr, $3  }
0x3a: {  	_ = 	snop  }
0x3b: {  	_ = 	snop  }
0x3c: {  	p2 =	seq.s32 s10, $0x1;
	s10 =	sld [smem:$0x3FB6]  }
0x3d: {  	_ =	shalt  }
0x3e: {  	_ =	shalt  }
0x3f: {  	_ =	shalt  }
0x40: {  	_ =	shalt  }
0x41: {  	_ =	shalt  }
0x42: {  	_ =	shalt  }
0x43: {  	_ =	shalt  }
0x44: {  	_ =	shalt  }
0x45: {  	_ =	shalt  }
0x46: {  	_ =	shalt  }
0x47: {  	_ =	shalt  }
0x48: {  	_ =	shalt  }
0x49: {  	_ =	shalt  }
0x4a: {  	_ =	shalt  }
0x4b: {  	_ =	shalt  }
0x4c: {  	_ =	shalt  }
0x4d: {  	_ =	shalt  }
0x4e: {  	_ =	shalt  }
0x4f: {  	_ =	shalt  }
0x50: {  	_ =	shalt  }
0x51: {  	_ =	shalt  }
0x52: {  	_ =	shalt  }
0x53: {  	_ =	shalt  }
0x54: {  	_ =	shalt  }
0x55: {  	_ =	shalt  }
0x56: {  	_ =	shalt  }
0x57: {  	_ =	shalt  }
0x58: {  	_ =	shalt  }
0x59: {  	_ =	shalt  }
0x5a: {  	_ =	shalt  }
0x5b: {  	_ =	shalt  }
0x5c: {  	_ =	shalt  }
0x5d: {  	_ =	shalt  }
0x5e: {  	_ =	shalt  }
0x5f: {  	_ =	shalt  }
0x60: {  	_ =	shalt  }
0x61: {  	_ =	shalt  }
0x62: {  	_ =	shalt  }
0x63: {  	_ =	shalt  }
0x64: {  	_ =	shalt  }
0x65: {  	_ =	shalt  }
0x66: {  	_ =	shalt  }
0x67: {  	_ =	shalt  }
0x68: {  	_ =	shalt  }
0x69: {  	_ =	shalt  }
0x6a: {  	_ =	shalt  }
0x6b: {  	_ =	shalt  }
0x6c: {  	_ =	shalt  }
0x6d: {  	_ =	shalt  }
0x6e: {  	_ =	shalt  }
0x6f: {  	_ =	shalt  }
0x70: {  	_ =	shalt  }
0x71: {  	_ =	shalt  }
0x72: {  	_ =	shalt  }
0x73: {  	_ =	shalt  }
0x74: {  	_ =	shalt  }
0x75: {  	_ =	shalt  }
0x76: {  	_ =	shalt  }
0x77: {  	_ =	shalt  }
0x78: {  	_ =	shalt  }
0x79: {  	_ =	shalt  }
0x7a: {  	_ =	shalt  }
0x7b: {  	_ =	shalt  }
0x7c: {  	_ =	shalt  }
0x7d: {  	_ =	shalt  }
0x7e: {  	_ =	shalt  }
0x7f: {  	_ =	shalt  }
0x80: {  	_ =	shalt  }
0x81: {  	_ =	shalt  }
0x82: {  	_ =	shalt  }
0x83: {  	_ =	shalt  }
0x84: {  	_ =	shalt  }
0x85: {  	_ =	shalt  }
0x86: {  	_ =	shalt  }
0x87: {  	_ =	shalt  }
.Lfunc_end0:
.L_simem_size_0:
called_computation_lowered:
.L_overlay_start_0:
0x88: {  	s2 =	sld [smem:$0x3FD9]  }
0x89: {  	s3 =	sld [smem:$0x3FFE];
	_ =	sdelay $0x1  }
0x8a: {  	s1 =	srdreg.scid  }
0x8b: {  	s0 =	sand.u32 $0x1, s1  }
0x8c: {  	s17 =	sshll.u32 s0, $0xA;
	s2 =	sadd.s32 s3, s2  }
0x8d: {  	s2 =	sadd.s32 s2, s17  }
0x8e: {  	[smem:$0x3FC2] =	sst s2  }
0x8f: {  	_ = 	snop  }
0x90: {  	s2 =	sld [smem:$0x3FD0];
	(tm) =	ssettm $0x1  }
0x91: {  	s18 =	sld [smem:$0x3FFB];
	_ =	sdelay $0x3  }
0x92: {  	_ =	strace s18  }
0x93: {  	s3 =	sld [smem:$0x3FFC];
	_ =	sdelay $0x3  }
0x94: {  	_ =	strace s3  }
0x95: {  	s3 =	sld [smem:$0x3FFD];
	_ =	sdelay $0x3  }
0x96: {  	_ =	strace s3  }
0x97: {  	_ =	strace $0x8FFFFFFF  }
0x98: {  	s19 =	sld [smem:$0x3FDB];
	_ =	sdelay $0x1  }
0x99: {  	s4 =	simm.s32 $_scs_section_size  }
0x9a: {  	s5 =	simm.s32 $_size__tile_overlayer_lowered;
	s6 =	simm.s32 $_tile_overlayer_lowered  }
0x9b: {  	s22 =	simm.s32 $0x1BFF;
	s21 =	sshll.u32 s6, $0x1;
	s3 =	sadd.s32 s4, s19  }
0x9c: {  	s7 =	simm.s32 $0x0;
	s20 =	sshll.u32 s5, $0x1;
	s5 =	sadd.s32 s21, s3  }
0x9d: {  	[timem:s7], [sflag:s22] =	dma.local [hbm:s5], s20  }
0x9e: {  	_ =	swait.ge [sflag:s22], s20  }
0x9f: {  	s4 =	ssub.s32 $0x0, s20;
	[sflag:s22] =	ssyncset.done $0x0  }
0xa0: {  	[sflag:s22] =	ssyncadd.s32 s4;
	_ =	sdelay $0x1  }
0xa1: {  	s23 =	simm.s32 $0x1B8B  }
0xa2: {  	_ =	swait.ge [sflag:s23], $0x1  }
0xa3: {  	[sflag:s23] =	ssyncset.done $0x0  }
0xa4: {  	s25 =	simm.s32 $0x1B8E;
	s24 =	sld [smem:$0x3FFE];
	[sflag:s23] =	ssyncadd.s32 $0xFFFFFFFF  }
0xa5: {  	s26 =	simm.s32 $execute0_lowered;
	[smem:$0x3FD2] =	sst s25  }
0xa6: {  	s5 =	sshll.u32 s26, $0x1;
	_ =	strace $0x80000046;
	[dreg:$0x1] =	wrdreg $0xFFFFFFFF  }
0xa7: {  	s28 =	simm.s32 $_size_execute0_lowered;
	s3 =	sadd.s32 s3, s5;
	[dreg:$0x0] =	wrdreg $0x0  }
0xa8: {  	s5 =	sshll.u32 s28, $0x1;
	[dreg:$0x2] =	wrdreg s3  }
0xa9: {  	[dreg:$0x3] =	wrdreg s5  }
0xaa: {  	[dreg:$0x4] =	wrdreg $0xC0  }
0xab: {  	_ =	task [dreg:s7], $0x5FFFF  }
0xac: {  	[dreg:$0x1] =	wrdreg $0xFFFFFFFF  }
0xad: {  	[dreg:$0x0] =	wrdreg $0x60  }
0xae: {  	[dreg:$0x2] =	wrdreg s24  }
0xaf: {  	[dreg:$0x3] =	wrdreg s2  }
0xb0: {  	[dreg:$0x4] =	wrdreg $0x2C100  }
0xb1: {  	[dreg:$0x5] =	wrdreg $0x9  }
0xb2: {  	_ =	task.clear_ibuf [dreg:s7], $0x6FFFF;
	_ =	strace $0x90000046  }
0xb3: {  	s29 =	simm.s32 $0x9;
	_ =	strace $0x80000048  }
0xb4: {  	_ =	swait.ge [sflag:s29], $0x1  }
0xb5: {  	[sflag:s29] =	ssyncadd.s32 $0xFFFFFFFF  }
0xb6: {  	_ =	strace $0x90000048  }
0xb7: {  	_ =	sfence  }
0xb8: {  	s30 =	sld [smem:$0x0];
	_ =	sdelay $0x2  }
0xb9: {  	s31 =	sshll.u32 s1, $0xD;
	s1 =	sshrl.u32 s1, $0x2  }
0xba: {  	s3 =	sand.u32 $0x4000, s31;
	s1 =	sadd.s32 s1, s30  }
0xbb: {  	s0 =	sor.u32 s3, s0;
	s1 =	sshll.u32 s1, $0x11  }
0xbc: {  	s0 =	sor.u32 s1, s0  }
0xbd: {  	s0 =	sadd.s32 $0x8F2B, s0  }
0xbe: {  	[sflag:s0] =	ssyncadd.remote.s32 $0x1  }
0xbf: {  	_ =	sfence.sel $0xFFFF  }
0xc0: {  	[dreg:$0x0] =	wrdreg $0xFFFFFFFF;
	(pc) =	sbr.abs _section_cstart, $3  }
0xc1: {  	[dreg:$0x1] =	wrdreg $0xFFFFFFFF  }
0xc2: {  	_ =	task.clear_ibuf [dreg:s7], $0x2FFFF;
	_ =	strace $0x9FFFFFFF  }
0xc3: {  	(tm) =	ssettm $0x7FFFFFFF  }
tec
execute0_lowered:
.L_overlay_start_1:
0x0: {  	(tag) =	ssettag $0x1  }
0x1: {  	s1 =	rddreg [dreg:$0x0]  }
0x2: {  	s0 =	srdreg.scid;
	s7 =	rddreg [dreg:$0x1]  }
0x3: {  	s10 =	stileid.u32;
	s2 =	rddreg [dreg:$0x2];
	s13 =	simm.s32 $0x50  }
0x4: {  	s17 =	simm.s32 $0x640;
	s18 =	simm.s32 $0x690;
	s19 =	simm.s32 $0x6E0  }
0x5: {  	s20 =	simm.s32 $0x730;
	s21 =	simm.s32 $0x780;
	s22 =	simm.s32 $0x7D0  }
0x6: {  	s23 =	simm.s32 $0x1;
	s24 =	simm.s32 $0x2;
	s28 =	simm.s32 $0x2B20  }
0x7: {  	s29 =	simm.s32 $0x2B70;
	s30 =	simm.s32 $0x2BC0;
	s31 =	simm.s32 $0x0  }
0x8: {  	s0 =	sand.u32 $0x1, s0;
	s6 =	smul.u32 $0x2800, s10;
	s26 =	sshll.u32 s10, $0x6  }
0x9: {  	s3 =	sshll.u32 s0, $0x4;
	s8 =	smul.u32 $0x28000, s0;
	s0 =	ssub.s32 $0x2, s0  }
0xa: {  	s11 =	sor.u32 $0x1C03, s26;
	s26 =	simm.s32 $0x2AD0;
	s4 =	sor.u32 s10, s3  }
0xb: {  	s3 =	simm.s32 $0x0;
	s9 =	sshrl.u32 s6, $0x3;
	s25 =	sshrl.u32 s0, $0x1  }
0xc: {  	s12 =	sadd.s32 s6, s2;
	s10 =	simm.s32 $0x500;
	s4 =	smul.u32 $0x4E2, s4  }
0xd: {  	[smem:$0x7FF] =	sst s3;
	s8 =	sadd.s32 s6, s8;
	s0 =	ssub.s32 s0, s25  }
0xe: {  	s12 =	sshrl.u32 s12, $0x3;
	s25 =	simm.s32 $0x2A80;
	_ =	strace $0x80000047  }
0xf: {  	s8 =	sshrl.u32 s8, $0x3;
	s5 =	sadd.s32 s4, s1;
	s4 =	sadd.s32 $0x1A600, s1  }
0x10: {  	s1 =	sadd.s32 s9, s1;
	s7 =	sadd.s32 s7, s8;
	s8 =	smax.u32 s0, $0x1  }
0x11: {  	s9 =	simm.s32 $0x3;
	s5 =	sadd.s32 $0xB800, s5;
	s6 =	sadd.s32 $0x15600, s1  }
.LBB2_1:
0x12: {  	[tilespmem:s3], [sflag:$0x3] =	stream.linear.gather [hbm4b:s4+s3], $0x500, $0x38;
	[tilespmem:$0x5410] =	vst v63  }
0x13: {  	_ =	swait.ge [sflag:s9], $0x500  }
0x14: {  	[sflag:s9] =	ssyncset.done $0x0  }
0x15: {  	[sflag:s9] =	ssyncadd.s32 $0xFFFFFB00  }
0x16: {  	[tilespmem:s10], [sflag:$0x3] =	stream.linear.gather [hbm4b:s5+s3], $0x2710, $0x38;
	[tilespmem:$0x5410] =	vst v63  }
0x17: {  	_ =	swait.ge [sflag:s9], $0x2710  }
0x18: {  	[sflag:s9] =	ssyncset.done $0x0  }
0x19: {  	[sflag:s9] =	ssyncadd.s32 $0xFFFFD8F0  }
0x1a: {  	[spmem:s12], [sflag:s11] =	dma.local [hbm:s6], $0x500  }
0x1b: {  	_ =	swait.ge [sflag:s9], $0x500  }
0x1c: {  	[sflag:s9] =	ssyncset.done $0x0  }
0x1d: {  	[sflag:s9] =	ssyncadd.s32 $0xFFFFFB00  }
0x1e: {  	[bflag:$0x0] =	sbarrier.arrive $0xFFFF  }
0x1f: {  	[spmem:s2] =	stream.indirect.scatter.add.f32 [tilespmem:s3], [sflag:$0x1], $0x10, s10, s13, $0xb8;
	[tilespmem:$0x5410] =	vst v63  }
0x20: {  	s0 =	simm.s32 $0x550  }
0x21: {  	[spmem:s2] =	stream.indirect.scatter.add.f32 [tilespmem:s3], [sflag:$0x1], $0x10, s0, s13, $0xb8;
	[tilespmem:$0x5410] =	vst v63  }
0x22: {  	s1 =	simm.s32 $0x5A0  }
0x23: {  	[spmem:s2] =	stream.indirect.scatter.add.f32 [tilespmem:s3], [sflag:$0x1], $0x10, s1, s13, $0xb8;
	[tilespmem:$0x5410] =	vst v63  }
0x24: {  	s14 =	simm.s32 $0x5F0  }
0x25: {  	[spmem:s2] =	stream.indirect.scatter.add.f32 [tilespmem:s3], [sflag:$0x1], $0x10, s14, s13, $0xb8;
	[tilespmem:$0x5410] =	vst v63  }
0x26: {  	_ = 	snop  }
0x27: {  	[spmem:s2] =	stream.indirect.scatter.add.f32 [tilespmem:s3], [sflag:$0x1], $0x10, s17, s13, $0xb8;
	[tilespmem:$0x5410] =	vst v63  }
0x28: {  	_ = 	snop  }
0x29: {  	[spmem:s2] =	stream.indirect.scatter.add.f32 [tilespmem:s3], [sflag:$0x2], $0x10, s18, s13, $0xb8;
	[tilespmem:$0x5410] =	vst v63  }
0x2a: {  	_ = 	snop  }
0x2b: {  	[spmem:s2] =	stream.indirect.scatter.add.f32 [tilespmem:s3], [sflag:$0x2], $0x10, s19, s13, $0xb8;
	[tilespmem:$0x5410] =	vst v63  }
0x2c: {  	_ = 	snop  }
0x2d: {  	[spmem:s2] =	stream.indirect.scatter.add.f32 [tilespmem:s3], [sflag:$0x2], $0x10, s20, s13, $0xb8;
	[tilespmem:$0x5410] =	vst v63  }
0x2e: {  	_ = 	snop  }
0x2f: {  	[spmem:s2] =	stream.indirect.scatter.add.f32 [tilespmem:s3], [sflag:$0x2], $0x10, s21, s13, $0xb8;
	[tilespmem:$0x5410] =	vst v63  }
0x30: {  	_ = 	snop  }
0x31: {  	[spmem:s2] =	stream.indirect.scatter.add.f32 [tilespmem:s3], [sflag:$0x2], $0x10, s22, s13, $0xb8;
	[tilespmem:$0x5410] =	vst v63  }
0x32: {  	_ =	swait.ge [sflag:s23], $0x500  }
0x33: {  	[sflag:s23] =	ssyncset.done $0x0  }
0x34: {  	[sflag:s23] =	ssyncadd.s32 $0xFFFFFB00  }
0x35: {  	_ =	swait.ge [sflag:s23], $0x500  }
0x36: {  	[sflag:s23] =	ssyncset.done $0x0  }
0x37: {  	[sflag:s23] =	ssyncadd.s32 $0xFFFFFB00  }
0x38: {  	_ =	swait.ge [sflag:s23], $0x500  }
0x39: {  	[sflag:s23] =	ssyncset.done $0x0  }
0x3a: {  	[sflag:s23] =	ssyncadd.s32 $0xFFFFFB00  }
0x3b: {  	_ =	swait.ge [sflag:s23], $0x500  }
0x3c: {  	[sflag:s23] =	ssyncset.done $0x0  }
0x3d: {  	[sflag:s23] =	ssyncadd.s32 $0xFFFFFB00  }
0x3e: {  	_ =	swait.ge [sflag:s23], $0x500  }
0x3f: {  	[sflag:s23] =	ssyncset.done $0x0  }
0x40: {  	s15 =	simm.s32 $0x820;
	[sflag:s23] =	ssyncadd.s32 $0xFFFFFB00  }
0x41: {  	[spmem:s2] =	stream.indirect.scatter.add.f32 [tilespmem:s3], [sflag:$0x1], $0x10, s15, s13, $0xb8;
	[tilespmem:$0x5410] =	vst v63  }
0x42: {  	s16 =	simm.s32 $0x870  }
0x43: {  	[spmem:s2] =	stream.indirect.scatter.add.f32 [tilespmem:s3], [sflag:$0x1], $0x10, s16, s13, $0xb8;
	[tilespmem:$0x5410] =	vst v63  }
0x44: {  	s1 =	simm.s32 $0x8C0  }
0x45: {  	[spmem:s2] =	stream.indirect.scatter.add.f32 [tilespmem:s3], [sflag:$0x1], $0x10, s1, s13, $0xb8;
	[tilespmem:$0x5410] =	vst v63  }
0x46: {  	s14 =	simm.s32 $0x910  }
0x47: {  	[spmem:s2] =	stream.indirect.scatter.add.f32 [tilespmem:s3], [sflag:$0x1], $0x10, s14, s13, $0xb8;
	[tilespmem:$0x5410] =	vst v63  }
0x48: {  	s15 =	simm.s32 $0x960  }
0x49: {  	[spmem:s2] =	stream.indirect.scatter.add.f32 [tilespmem:s3], [sflag:$0x1], $0x10, s15, s13, $0xb8;
	[tilespmem:$0x5410] =	vst v63  }
0x4a: {  	_ =	swait.ge [sflag:s24], $0x500  }
0x4b: {  	[sflag:s24] =	ssyncset.done $0x0  }
0x4c: {  	[sflag:s24] =	ssyncadd.s32 $0xFFFFFB00  }
0x4d: {  	_ =	swait.ge [sflag:s24], $0x500  }
0x4e: {  	[sflag:s24] =	ssyncset.done $0x0  }
0x4f: {  	[sflag:s24] =	ssyncadd.s32 $0xFFFFFB00  }
0x50: {  	_ =	swait.ge [sflag:s24], $0x500  }
0x51: {  	[sflag:s24] =	ssyncset.done $0x0  }
0x52: {  	[sflag:s24] =	ssyncadd.s32 $0xFFFFFB00  }
0x53: {  	_ =	swait.ge [sflag:s24], $0x500  }
0x54: {  	[sflag:s24] =	ssyncset.done $0x0  }
0x55: {  	[sflag:s24] =	ssyncadd.s32 $0xFFFFFB00  }
0x56: {  	_ =	swait.ge [sflag:s24], $0x500  }
0x57: {  	[sflag:s24] =	ssyncset.done $0x0  }
0x58: {  	s16 =	simm.s32 $0x9B0;
	[sflag:s24] =	ssyncadd.s32 $0xFFFFFB00  }
0x59: {  	[spmem:s2] =	stream.indirect.scatter.add.f32 [tilespmem:s3], [sflag:$0x2], $0x10, s16, s13, $0xb8;
	[tilespmem:$0x5410] =	vst v63  }
0x5a: {  	s1 =	simm.s32 $0xA00  }
0x5b: {  	[spmem:s2] =	stream.indirect.scatter.add.f32 [tilespmem:s3], [sflag:$0x2], $0x10, s1, s13, $0xb8;
	[tilespmem:$0x5410] =	vst v63  }
0x5c: {  	s14 =	simm.s32 $0xA50  }
0x5d: {  	[spmem:s2] =	stream.indirect.scatter.add.f32 [tilespmem:s3], [sflag:$0x2], $0x10, s14, s13, $0xb8;
	[tilespmem:$0x5410] =	vst v63  }
0x5e: {  	s15 =	simm.s32 $0xAA0  }
0x5f: {  	[spmem:s2] =	stream.indirect.scatter.add.f32 [tilespmem:s3], [sflag:$0x2], $0x10, s15, s13, $0xb8;
	[tilespmem:$0x5410] =	vst v63  }
0x60: {  	s16 =	simm.s32 $0xAF0  }
0x61: {  	[spmem:s2] =	stream.indirect.scatter.add.f32 [tilespmem:s3], [sflag:$0x2], $0x10, s16, s13, $0xb8;
	[tilespmem:$0x5410] =	vst v63  }
0x62: {  	_ =	swait.ge [sflag:s23], $0x500  }
0x63: {  	[sflag:s23] =	ssyncset.done $0x0  }
0x64: {  	[sflag:s23] =	ssyncadd.s32 $0xFFFFFB00  }
0x65: {  	_ =	swait.ge [sflag:s23], $0x500  }
0x66: {  	[sflag:s23] =	ssyncset.done $0x0  }
0x67: {  	[sflag:s23] =	ssyncadd.s32 $0xFFFFFB00  }
0x68: {  	_ =	swait.ge [sflag:s23], $0x500  }
0x69: {  	[sflag:s23] =	ssyncset.done $0x0  }
0x6a: {  	[sflag:s23] =	ssyncadd.s32 $0xFFFFFB00  }
0x6b: {  	_ =	swait.ge [sflag:s23], $0x500  }
0x6c: {  	[sflag:s23] =	ssyncset.done $0x0  }
0x6d: {  	[sflag:s23] =	ssyncadd.s32 $0xFFFFFB00  }
0x6e: {  	_ =	swait.ge [sflag:s23], $0x500  }
0x6f: {  	s0 =	simm.s32 $0x1900;
	s1 =	simm.s32 $0x320;
	[sflag:s23] =	ssyncset.done $0x0  }
.LBB2_2:
0x70: {  	s16 =	sadd.s32 $0x820, s1  }
0x71: {  	[sflag:s23] =	ssyncadd.s32 $0xFFFFFB00;
	s14 =	smov.u32 s0;
	s15 =	sadd.s32 $0xC80, s0  }
0x72: {  	[spmem:s2] =	stream.indirect.scatter.add.f32 [tilespmem:s3], [sflag:$0x1], $0x10, s16, s13, $0xb8;
	[tilespmem:$0x5410] =	vst v63  }
0x73: {  	p0 =	sne.s32 s0, $0x7D00;
	s0 =	sadd.s32 $0x870, s1  }
0x74: {  	[spmem:s2] =	stream.indirect.scatter.add.f32 [tilespmem:s3], [sflag:$0x1], $0x10, s0, s13, $0xb8;
	[tilespmem:$0x5410] =	vst v63  }
0x75: {  	s0 =	sadd.s32 $0x8C0, s1  }
0x76: {  	[spmem:s2] =	stream.indirect.scatter.add.f32 [tilespmem:s3], [sflag:$0x1], $0x10, s0, s13, $0xb8;
	[tilespmem:$0x5410] =	vst v63  }
0x77: {  	s0 =	sadd.s32 $0x910, s1  }
0x78: {  	[spmem:s2] =	stream.indirect.scatter.add.f32 [tilespmem:s3], [sflag:$0x1], $0x10, s0, s13, $0xb8;
	[tilespmem:$0x5410] =	vst v63  }
0x79: {  	s0 =	sadd.s32 $0x960, s1  }
0x7a: {  	[spmem:s2] =	stream.indirect.scatter.add.f32 [tilespmem:s3], [sflag:$0x1], $0x10, s0, s13, $0xb8;
	[tilespmem:$0x5410] =	vst v63  }
0x7b: {  	_ =	swait.ge [sflag:s24], $0x500  }
0x7c: {  	[sflag:s24] =	ssyncset.done $0x0  }
0x7d: {  	[sflag:s24] =	ssyncadd.s32 $0xFFFFFB00  }
0x7e: {  	_ =	swait.ge [sflag:s24], $0x500  }
0x7f: {  	[sflag:s24] =	ssyncset.done $0x0  }
0x80: {  	[sflag:s24] =	ssyncadd.s32 $0xFFFFFB00  }
0x81: {  	_ =	swait.ge [sflag:s24], $0x500  }
0x82: {  	[sflag:s24] =	ssyncset.done $0x0  }
0x83: {  	[sflag:s24] =	ssyncadd.s32 $0xFFFFFB00  }
0x84: {  	_ =	swait.ge [sflag:s24], $0x500  }
0x85: {  	[sflag:s24] =	ssyncset.done $0x0  }
0x86: {  	[sflag:s24] =	ssyncadd.s32 $0xFFFFFB00  }
0x87: {  	_ =	swait.ge [sflag:s24], $0x500  }
0x88: {  	[sflag:s24] =	ssyncset.done $0x0  }
0x89: {  	s0 =	sadd.s32 $0x9B0, s1;
	[sflag:s24] =	ssyncadd.s32 $0xFFFFFB00  }
0x8a: {  	[spmem:s2] =	stream.indirect.scatter.add.f32 [tilespmem:s3], [sflag:$0x2], $0x10, s0, s13, $0xb8;
	[tilespmem:$0x5410] =	vst v63  }
0x8b: {  	s0 =	sadd.s32 $0xA00, s1  }
0x8c: {  	[spmem:s2] =	stream.indirect.scatter.add.f32 [tilespmem:s3], [sflag:$0x2], $0x10, s0, s13, $0xb8;
	[tilespmem:$0x5410] =	vst v63  }
0x8d: {  	s0 =	sadd.s32 $0xA50, s1  }
0x8e: {  	[spmem:s2] =	stream.indirect.scatter.add.f32 [tilespmem:s3], [sflag:$0x2], $0x10, s0, s13, $0xb8;
	[tilespmem:$0x5410] =	vst v63  }
0x8f: {  	s0 =	sadd.s32 $0xAA0, s1  }
0x90: {  	[spmem:s2] =	stream.indirect.scatter.add.f32 [tilespmem:s3], [sflag:$0x2], $0x10, s0, s13, $0xb8;
	[tilespmem:$0x5410] =	vst v63  }
0x91: {  	s0 =	sadd.s32 $0xAF0, s1  }
0x92: {  	[spmem:s2] =	stream.indirect.scatter.add.f32 [tilespmem:s3], [sflag:$0x2], $0x10, s0, s13, $0xb8;
	[tilespmem:$0x5410] =	vst v63  }
0x93: {  	_ =	swait.ge [sflag:s23], $0x500  }
0x94: {  	[sflag:s23] =	ssyncset.done $0x0  }
0x95: {  	[sflag:s23] =	ssyncadd.s32 $0xFFFFFB00  }
0x96: {  	_ =	swait.ge [sflag:s23], $0x500  }
0x97: {  	[sflag:s23] =	ssyncset.done $0x0  }
0x98: {  	[sflag:s23] =	ssyncadd.s32 $0xFFFFFB00  }
0x99: {  	_ =	swait.ge [sflag:s23], $0x500  }
0x9a: {  	[sflag:s23] =	ssyncset.done $0x0  }
0x9b: {  	[sflag:s23] =	ssyncadd.s32 $0xFFFFFB00  }
.Ltmp0:
0x9c: {  	_ =	swait.ge [sflag:s23], $0x500;
	(pc) =	sbr.rel @p0 .LBB2_2-.Ltmp0, $4  }
0x9d: {  	[sflag:s23] =	ssyncset.done $0x0  }
0x9e: {  	[sflag:s23] =	ssyncadd.s32 $0xFFFFFB00  }
0x9f: {  	_ =	swait.ge [sflag:s23], $0x500  }
0xa0: {  	s1 =	sshra.s32 s14, $0x2;
	s0 =	smov.u32 s15;
	[sflag:s23] =	ssyncset.done $0x0  }
0xa1: {  	s0 =	sadd.s32 $0x820, s1;
	[sflag:s23] =	ssyncadd.s32 $0xFFFFFB00  }
0xa2: {  	[spmem:s2] =	stream.indirect.scatter.add.f32 [tilespmem:s3], [sflag:$0x1], $0x10, s0, s13, $0xb8;
	[tilespmem:$0x5410] =	vst v63  }
0xa3: {  	s14 =	sadd.s32 $0x870, s1  }
0xa4: {  	[spmem:s2] =	stream.indirect.scatter.add.f32 [tilespmem:s3], [sflag:$0x1], $0x10, s14, s13, $0xb8;
	[tilespmem:$0x5410] =	vst v63  }
0xa5: {  	s15 =	sadd.s32 $0x8C0, s1  }
0xa6: {  	[spmem:s2] =	stream.indirect.scatter.add.f32 [tilespmem:s3], [sflag:$0x1], $0x10, s15, s13, $0xb8;
	[tilespmem:$0x5410] =	vst v63  }
0xa7: {  	s16 =	sadd.s32 $0x910, s1  }
0xa8: {  	[spmem:s2] =	stream.indirect.scatter.add.f32 [tilespmem:s3], [sflag:$0x1], $0x10, s16, s13, $0xb8;
	[tilespmem:$0x5410] =	vst v63  }
0xa9: {  	s14 =	sadd.s32 $0x960, s1  }
0xaa: {  	[spmem:s2] =	stream.indirect.scatter.add.f32 [tilespmem:s3], [sflag:$0x1], $0x10, s14, s13, $0xb8;
	[tilespmem:$0x5410] =	vst v63  }
0xab: {  	_ =	swait.ge [sflag:s24], $0x500  }
0xac: {  	[sflag:s24] =	ssyncset.done $0x0  }
0xad: {  	[sflag:s24] =	ssyncadd.s32 $0xFFFFFB00  }
0xae: {  	_ =	swait.ge [sflag:s24], $0x500  }
0xaf: {  	[sflag:s24] =	ssyncset.done $0x0  }
0xb0: {  	[sflag:s24] =	ssyncadd.s32 $0xFFFFFB00  }
0xb1: {  	_ =	swait.ge [sflag:s24], $0x500  }
0xb2: {  	[sflag:s24] =	ssyncset.done $0x0  }
0xb3: {  	[sflag:s24] =	ssyncadd.s32 $0xFFFFFB00  }
0xb4: {  	_ =	swait.ge [sflag:s24], $0x500  }
0xb5: {  	[sflag:s24] =	ssyncset.done $0x0  }
0xb6: {  	[sflag:s24] =	ssyncadd.s32 $0xFFFFFB00  }
0xb7: {  	_ =	swait.ge [sflag:s24], $0x500  }
0xb8: {  	[sflag:s24] =	ssyncset.done $0x0  }
0xb9: {  	s15 =	sadd.s32 $0x9B0, s1;
	[sflag:s24] =	ssyncadd.s32 $0xFFFFFB00  }
0xba: {  	[spmem:s2] =	stream.indirect.scatter.add.f32 [tilespmem:s3], [sflag:$0x2], $0x10, s15, s13, $0xb8;
	[tilespmem:$0x5410] =	vst v63  }
0xbb: {  	s16 =	sadd.s32 $0xA00, s1  }
0xbc: {  	[spmem:s2] =	stream.indirect.scatter.add.f32 [tilespmem:s3], [sflag:$0x2], $0x10, s16, s13, $0xb8;
	[tilespmem:$0x5410] =	vst v63  }
0xbd: {  	s14 =	sadd.s32 $0xA50, s1  }
0xbe: {  	[spmem:s2] =	stream.indirect.scatter.add.f32 [tilespmem:s3], [sflag:$0x2], $0x10, s14, s13, $0xb8;
	[tilespmem:$0x5410] =	vst v63  }
0xbf: {  	s15 =	sadd.s32 $0xAA0, s1  }
0xc0: {  	[spmem:s2] =	stream.indirect.scatter.add.f32 [tilespmem:s3], [sflag:$0x2], $0x10, s15, s13, $0xb8;
	[tilespmem:$0x5410] =	vst v63  }
0xc1: {  	s16 =	sadd.s32 $0xAF0, s1  }
0xc2: {  	[spmem:s2] =	stream.indirect.scatter.add.f32 [tilespmem:s3], [sflag:$0x2], $0x10, s16, s13, $0xb8;
	[tilespmem:$0x5410] =	vst v63  }
0xc3: {  	_ =	swait.ge [sflag:s23], $0x500  }
0xc4: {  	[sflag:s23] =	ssyncset.done $0x0  }
0xc5: {  	[sflag:s23] =	ssyncadd.s32 $0xFFFFFB00  }
0xc6: {  	_ =	swait.ge [sflag:s23], $0x500  }
0xc7: {  	[sflag:s23] =	ssyncset.done $0x0  }
0xc8: {  	[sflag:s23] =	ssyncadd.s32 $0xFFFFFB00  }
0xc9: {  	_ =	swait.ge [sflag:s23], $0x500  }
0xca: {  	[sflag:s23] =	ssyncset.done $0x0  }
0xcb: {  	[sflag:s23] =	ssyncadd.s32 $0xFFFFFB00  }
0xcc: {  	_ =	swait.ge [sflag:s23], $0x500  }
0xcd: {  	[sflag:s23] =	ssyncset.done $0x0  }
0xce: {  	[sflag:s23] =	ssyncadd.s32 $0xFFFFFB00  }
0xcf: {  	_ =	swait.ge [sflag:s23], $0x500  }
0xd0: {  	[sflag:s23] =	ssyncset.done $0x0  }
0xd1: {  	[sflag:s23] =	ssyncadd.s32 $0xFFFFFB00  }
0xd2: {  	[spmem:s2] =	stream.indirect.scatter.add.f32 [tilespmem:s3], [sflag:$0x1], $0x10, s25, s13, $0xb8;
	[tilespmem:$0x5410] =	vst v63  }
0xd3: {  	_ = 	snop  }
0xd4: {  	[spmem:s2] =	stream.indirect.scatter.add.f32 [tilespmem:s3], [sflag:$0x1], $0x10, s26, s13, $0xb8;
	[tilespmem:$0x5410] =	vst v63  }
0xd5: {  	_ = 	snop  }
0xd6: {  	[spmem:s2] =	stream.indirect.scatter.add.f32 [tilespmem:s3], [sflag:$0x1], $0x10, s28, s13, $0xb8;
	[tilespmem:$0x5410] =	vst v63  }
0xd7: {  	_ = 	snop  }
0xd8: {  	[spmem:s2] =	stream.indirect.scatter.add.f32 [tilespmem:s3], [sflag:$0x1], $0x10, s29, s13, $0xb8;
	[tilespmem:$0x5410] =	vst v63  }
0xd9: {  	_ = 	snop  }
0xda: {  	[spmem:s2] =	stream.indirect.scatter.add.f32 [tilespmem:s3], [sflag:$0x1], $0x10, s30, s13, $0xb8;
	[tilespmem:$0x5410] =	vst v63  }
0xdb: {  	_ =	swait.ge [sflag:s24], $0x500  }
0xdc: {  	[sflag:s24] =	ssyncset.done $0x0  }
0xdd: {  	[sflag:s24] =	ssyncadd.s32 $0xFFFFFB00  }
0xde: {  	_ =	swait.ge [sflag:s24], $0x500  }
0xdf: {  	[sflag:s24] =	ssyncset.done $0x0  }
0xe0: {  	[sflag:s24] =	ssyncadd.s32 $0xFFFFFB00  }
0xe1: {  	_ =	swait.ge [sflag:s24], $0x500  }
0xe2: {  	[sflag:s24] =	ssyncset.done $0x0  }
0xe3: {  	[sflag:s24] =	ssyncadd.s32 $0xFFFFFB00  }
0xe4: {  	_ =	swait.ge [sflag:s24], $0x500  }
0xe5: {  	[sflag:s24] =	ssyncset.done $0x0  }
0xe6: {  	[sflag:s24] =	ssyncadd.s32 $0xFFFFFB00  }
0xe7: {  	_ =	swait.ge [sflag:s24], $0x500  }
0xe8: {  	[sflag:s24] =	ssyncset.done $0x0  }
0xe9: {  	[sflag:s24] =	ssyncadd.s32 $0xFFFFFB00  }
0xea: {  	_ =	swait.ge [sflag:s23], $0x500  }
0xeb: {  	[sflag:s23] =	ssyncset.done $0x0  }
0xec: {  	[sflag:s23] =	ssyncadd.s32 $0xFFFFFB00  }
0xed: {  	_ =	swait.ge [sflag:s23], $0x500  }
0xee: {  	[sflag:s23] =	ssyncset.done $0x0  }
0xef: {  	[sflag:s23] =	ssyncadd.s32 $0xFFFFFB00  }
0xf0: {  	_ =	swait.ge [sflag:s23], $0x500  }
0xf1: {  	[sflag:s23] =	ssyncset.done $0x0  }
0xf2: {  	[sflag:s23] =	ssyncadd.s32 $0xFFFFFB00  }
0xf3: {  	_ =	swait.ge [sflag:s23], $0x500  }
0xf4: {  	[sflag:s23] =	ssyncset.done $0x0  }
0xf5: {  	[sflag:s23] =	ssyncadd.s32 $0xFFFFFB00  }
0xf6: {  	_ =	swait.ge [sflag:s23], $0x500  }
0xf7: {  	s31 =	sadd.s32 $0x1, s31;
	[sflag:s23] =	ssyncset.done $0x0  }
0xf8: {  	p0 =	sne.s32 s31, s8;
	[sflag:s23] =	ssyncadd.s32 $0xFFFFFB00  }
.Ltmp1:
0xf9: {  	[bflag:$0x0] =	sbarrier.arrive $0xFFFF;
	(pc) =	sbr.rel @p0 .LBB2_1-.Ltmp1, $4  }
0xfa: {  	[hbm:s7], [sflag:s11] =	dma.local [spmem:s12], $0x500  }
0xfb: {  	_ =	swait.ge [sflag:s9], $0x500  }
0xfc: {  	[sflag:s9] =	ssyncset.done $0x0  }
0xfd: {  	[sflag:s9] =	ssyncadd.s32 $0xFFFFFB00  }
0xfe: {  	_ =	sfence.sel $0x180000  }
0xff: {  	[bflag:$0x0] =	sbarrier.arrive $0xFFFF  }
0x100: {  	_ =	strace $0x90000047  }
0x101: {  	s0 =	stileid.u32;
	[bflag:$0x2] =	sbarrier.arrive $0xFFFF  }
0x102: {  	p0 =	sne.s32 s0, $0x0;
	s0 =	rddreg [dreg:$0x3]  }
0x103: {  	s0 =	sadd.s32 @!p0 $0x100000, s0  }
0x104: {  	[sflag:s0] =	ssyncadd.tile.s32 @!p0 $0x1;
	_ =	shalt  }
.Lfunc_end2:
_tile_overlayer_lowered:
.L_overlay_start_2:
0x105: {  	(tag) =	ssettag $0x2  }
0x106: {  	s0 =	rddreg [dreg:$0x0];
	s2 =	stileid.u32  }
0x107: {  	s1 =	rddreg [dreg:$0x1];
	p0 =	sne.s32 s2, $0x0  }
0x108: {  	s3 =	rddreg [dreg:$0x2];
	[bflag:$0x3] =	sbarrier.arrive $0xFFFF;
	s2 =	simm.s32 @!p0 $0x1C03  }
0x109: {  	[timem:s3], [sflag:s2] =	dma.local @!p0 [hbm:s0], s1  }
0x10a: {  	s0 =	simm.s32 @!p0 $0x3  }
0x10b: {  	_ =	swait.ge @!p0 [sflag:s0], s1  }
0x10c: {  	s1 =	ssub.s32 @!p0 $0x0, s1;
	[sflag:s0] =	ssyncset.done @!p0 $0x0  }
0x10d: {  	[sflag:s0] =	ssyncadd.s32 @!p0 s1  }
0x10e: {  	[bflag:$0x3] =	sbarrier.arrive $0xFFFF  }
0x10f: {  	_ =	shalt  }

</sc_bundles>
